<compile_context>
chip_gen: v7x
topology: tpu7x:2x2x1
jax: 0.10.2.dev20260603
libtpu: 0.0.44.dev20260713+nightly
codegen_flags: <defaults>
</compile_context>

<pallas_src>
import functools

import jax
import jax.numpy as jnp
import numpy as np
from jax import lax
from jax.experimental import pallas as pl
from jax.experimental.pallas import tpu as pltpu
from jax.experimental.pallas import tpu_sc as plsc

B, S, D = 2, 2048, 1024
E = 8
H = D * 4
N = B * S

TG = 512
NTG = N // TG
T = 512
NT = N // T
HB = 1024
NH = H // HB
W = NT + E - 1


def _gelu(x):
    return 0.5 * x * (1.0 + lax.erf(x * np.float32(1.0 / np.sqrt(2.0))))


def _dot_bf16(a, b):
    return jnp.dot(a, b, preferred_element_type=jnp.float32)



def _gate_body(x_ref, gw_ref, gb_ref, idx_ref, sc_ref, pw_ref, ps_ref,
               cnt_ref, loss_ref):
    pid = pl.program_id(0)
    logits = jnp.dot(x_ref[...], gw_ref[...],
                     preferred_element_type=jnp.float32) + gb_ref[...]
    m = jnp.max(logits, axis=1, keepdims=True)
    ex = jnp.exp(logits - m)
    s = jnp.sum(ex, axis=1, keepdims=True)
    probs = ex / s
    pmax = jnp.max(probs, axis=1, keepdims=True)
    lanes = lax.broadcasted_iota(jnp.int32, (TG, E), 1)
    amax = jnp.min(jnp.where(probs == pmax, lanes, E), axis=1, keepdims=True)
    idx_ref[...] = amax
    sc_ref[...] = pmax

    @pl.when(pid == 0)
    def _():
        ps_ref[...] = jnp.zeros_like(ps_ref)
        cnt_ref[...] = jnp.zeros_like(cnt_ref)
        loss_ref[...] = jnp.zeros_like(loss_ref)

    onehot = (lanes == amax).astype(jnp.float32)
    ri = lax.broadcasted_iota(jnp.int32, (TG, TG), 0)
    ci = lax.broadcasted_iota(jnp.int32, (TG, TG), 1)
    tri = (ri > ci).astype(jnp.float32)
    within = jnp.dot(tri, onehot, preferred_element_type=jnp.float32)
    base = cnt_ref[...]
    pw_ref[...] = jnp.sum((within + base) * onehot, axis=1,
                          keepdims=True).astype(jnp.int32)

    ps_ref[...] += jnp.sum(probs, axis=0, keepdims=True)
    cnt_ref[...] += jnp.sum(onehot, axis=0, keepdims=True)

    @pl.when(pid == pl.num_programs(0) - 1)
    def _():
        loss_ref[...] = (np.float32(E) / np.float32(N * N)
                         * jnp.sum(ps_ref[...] * cnt_ref[...])).reshape(1, 1)


def _gating(x2d, gate_w, gate_b2d):
    return pl.pallas_call(
        _gate_body,
        grid=(NTG,),
        in_specs=[
            pl.BlockSpec((TG, D), lambda i: (i, 0)),
            pl.BlockSpec((D, E), lambda i: (0, 0)),
            pl.BlockSpec((1, E), lambda i: (0, 0)),
        ],
        out_specs=[
            pl.BlockSpec((TG, 1), lambda i: (i, 0)),
            pl.BlockSpec((TG, 1), lambda i: (i, 0)),
            pl.BlockSpec((TG, 1), lambda i: (i, 0)),
            pl.BlockSpec((1, E), lambda i: (0, 0)),
            pl.BlockSpec((1, E), lambda i: (0, 0)),
            pl.BlockSpec((1, 1), lambda i: (0, 0)),
        ],
        out_shape=[
            jax.ShapeDtypeStruct((N, 1), jnp.int32),
            jax.ShapeDtypeStruct((N, 1), jnp.float32),
            jax.ShapeDtypeStruct((N, 1), jnp.int32),
            jax.ShapeDtypeStruct((1, E), jnp.float32),
            jax.ShapeDtypeStruct((1, E), jnp.float32),
            jax.ShapeDtypeStruct((1, 1), jnp.float32),
        ],
        compiler_params=pltpu.CompilerParams(
            dimension_semantics=("arbitrary",)),
    )(x2d, gate_w, gate_b2d)



def _make_sc_gather():
    nc, ns = 2, 16
    nw = nc * ns
    rows_per_w = N // nw
    chunk = 64
    nchunk = rows_per_w // chunk
    mesh = plsc.VectorSubcoreMesh(core_axis_name="c", subcore_axis_name="s",
                                  num_cores=nc, num_subcores=ns)

    @functools.partial(
        pl.kernel,
        mesh=mesh,
        out_type=jax.ShapeDtypeStruct((N, D), jnp.float32),
        scratch_types=[
            pltpu.VMEM((chunk,), jnp.int32),
            pltpu.VMEM((chunk, D), jnp.float32),
            pltpu.SemaphoreType.DMA,
        ],
    )
    def sc_gather(table_hbm, idx_hbm, out_hbm, idx_v, rows_v, sem):
        wid = lax.axis_index("s") * nc + lax.axis_index("c")
        base = wid * rows_per_w
        for c in range(nchunk):
            off = base + c * chunk
            pltpu.sync_copy(idx_hbm.at[pl.ds(off, chunk)], idx_v)
            pltpu.async_copy(table_hbm.at[idx_v], rows_v, sem).wait()
            pltpu.sync_copy(rows_v, out_hbm.at[pl.ds(off, chunk)])

    return sc_gather


def _make_sc_scatter():
    nc, ns = 2, 16
    nw = nc * ns
    rows_per_w = N // nw
    chunk = 64
    nchunk = rows_per_w // chunk
    mesh = plsc.VectorSubcoreMesh(core_axis_name="c", subcore_axis_name="s",
                                  num_cores=nc, num_subcores=ns)

    @functools.partial(
        pl.kernel,
        mesh=mesh,
        out_type=jax.ShapeDtypeStruct((N, D), jnp.float32),
        scratch_types=[
            pltpu.VMEM((chunk,), jnp.int32),
            pltpu.VMEM((chunk, D), jnp.float32),
            pltpu.SemaphoreType.DMA,
        ],
    )
    def sc_scatter(table_hbm, idx_hbm, out_hbm, idx_v, rows_v, sem):
        wid = lax.axis_index("s") * nc + lax.axis_index("c")
        base = wid * rows_per_w
        for c in range(nchunk):
            off = base + c * chunk
            pltpu.sync_copy(idx_hbm.at[pl.ds(off, chunk)], idx_v)
            pltpu.sync_copy(table_hbm.at[pl.ds(off, chunk)], rows_v)
            pltpu.async_copy(rows_v, out_hbm.at[idx_v], sem).wait()

    return sc_scatter


_SC_SCATTER_CACHE = []


def _sc_scatter(table, idx):
    if not _SC_SCATTER_CACHE:
        _SC_SCATTER_CACHE.append(_make_sc_scatter())
    return _SC_SCATTER_CACHE[0](table, idx)


_SC_GATHER_CACHE = []


def _sc_gather(table, idx):
    if not _SC_GATHER_CACHE:
        _SC_GATHER_CACHE.append(_make_sc_gather())
    return _SC_GATHER_CACHE[0](table, idx)



def _mlp_body(tid_ref, eid_ref, fst_ref, xs_ref, w1_ref, w2_ref, b1_ref,
              b2_ref, sw_ref, out_ref, acc_ref):
    w = pl.program_id(0)
    h = pl.program_id(1)
    hpre = _dot_bf16(xs_ref[...], w1_ref[0].astype(jnp.bfloat16)) + b1_ref[0]
    g = _gelu(hpre)
    part = _dot_bf16(g.astype(jnp.bfloat16), w2_ref[0].astype(jnp.bfloat16))

    @pl.when(h == 0)
    def _():
        acc_ref[...] = part

    @pl.when((h != 0) & (h != NH - 1))
    def _():
        acc_ref[...] += part

    @pl.when(h == NH - 1)
    def _():
        swc = sw_ref[0]
        contrib = swc * (acc_ref[...] + part + b2_ref[0])

        @pl.when(fst_ref[w] == 1)
        def _():
            out_ref[...] = contrib

        @pl.when(fst_ref[w] == 0)
        def _():
            out_ref[...] += contrib


def _grouped_mlp(tile_ids, expert_ids, first, xs, w1, w2, b1_w, b2_w, sw):
    grid_spec = pltpu.PrefetchScalarGridSpec(
        num_scalar_prefetch=3,
        grid=(W, NH),
        in_specs=[
            pl.BlockSpec((T, D), lambda w, h, tid, eid, fst: (tid[w], 0)),
            pl.BlockSpec((1, D, HB), lambda w, h, tid, eid, fst: (eid[w], 0, h)),
            pl.BlockSpec((1, HB, D), lambda w, h, tid, eid, fst: (eid[w], h, 0)),
            pl.BlockSpec((1, 1, HB), lambda w, h, tid, eid, fst: (w, 0, h)),
            pl.BlockSpec((1, 1, D), lambda w, h, tid, eid, fst: (w, 0, 0)),
            pl.BlockSpec((1, T, 1), lambda w, h, tid, eid, fst: (w, 0, 0)),
        ],
        out_specs=pl.BlockSpec((T, D),
                               lambda w, h, tid, eid, fst: (tid[w], 0)),
        scratch_shapes=[pltpu.VMEM((T, D), jnp.float32)],
    )
    return pl.pallas_call(
        _mlp_body,
        grid_spec=grid_spec,
        out_shape=jax.ShapeDtypeStruct((N, D), jnp.float32),
        compiler_params=pltpu.CompilerParams(
            dimension_semantics=("arbitrary", "arbitrary")),
    )(tile_ids, expert_ids, first, xs, w1, w2, b1_w, b2_w, sw)



def _work_items(counts):
    ends = jnp.cumsum(counts)
    starts = ends - counts
    t_lo = starts // T
    t_hi = (ends + T - 1) // T
    items_per = jnp.where(counts > 0, t_hi - t_lo, 0)
    item_cum = jnp.cumsum(items_per)
    total = item_cum[-1]
    j = jnp.arange(W, dtype=jnp.int32)
    e_j = jnp.searchsorted(item_cum, j, side="right").astype(jnp.int32)
    e_j = jnp.minimum(e_j, E - 1)
    valid = j < total
    off_e = item_cum[e_j] - items_per[e_j]
    tile_j = t_lo[e_j] + (j - off_e)
    tile_j = jnp.where(valid, tile_j, NT - 1).astype(jnp.int32)
    e_j = jnp.where(valid, e_j, E - 1).astype(jnp.int32)
    glo = jnp.maximum(starts[e_j], tile_j * T)
    ghi = jnp.minimum(ends[e_j], (tile_j + 1) * T)
    lo = jnp.where(valid, glo - tile_j * T, 0).astype(jnp.int32)
    hi = jnp.where(valid, ghi - tile_j * T, 0).astype(jnp.int32)
    prev = jnp.concatenate([jnp.array([-1], jnp.int32), tile_j[:-1]])
    first = (valid & (tile_j != prev)).astype(jnp.int32)
    prev_e = jnp.concatenate([jnp.array([-1], jnp.int32), e_j[:-1]])
    new_w = (e_j != prev_e).astype(jnp.int32)
    return tile_j, e_j, lo, hi, first, new_w



def kernel(x, gate_w, gate_b, w1, b1, w2, b2):
    x2d = x.reshape(N, D)

    idx_c, score_c, pw_c, _ps, cnt, loss = _gating(x2d, gate_w,
                                                   gate_b.reshape(1, E))
    idx = idx_c.reshape(N)
    score = score_c.reshape(N)
    loss_out = loss.reshape(())

    counts = cnt.reshape(E).astype(jnp.int32)
    starts = jnp.cumsum(counts) - counts
    pos = starts[idx] + pw_c.reshape(N)
    tile_j, e_j, lo, hi, first, new_w = _work_items(counts)

    r = jnp.arange(T, dtype=jnp.int32)
    inrange = (r[None, :] >= lo[:, None]) & (r[None, :] < hi[:, None])
    sw = inrange.astype(jnp.float32).reshape(W, T, 1)
    b1_w = b1[e_j].reshape(W, 1, H)
    b2_w = b2[e_j].reshape(W, 1, D)

    xs = _sc_scatter(x2d, pos)
    ys = _grouped_mlp(tile_j, e_j, first, xs.astype(jnp.bfloat16),
                      w1, w2, b1_w, b2_w, sw)
    out2d = _sc_gather(ys, pos)

    return (out2d * score[:, None]).reshape(B, S, D), loss_out

# --- scband reference (transcript-rebuilt; emitter-appended) ---
"""Pipeline reference for scband-mo-emlp-37933151158748 (READ-ONLY COPY).

The authoritative reference and input builder live on the scoring server;
editing this copy changes nothing except your own understanding.
"""

import jax, jax.numpy as jnp
import numpy as np

B, S, D = 2, 2048, 1024
E = 8
H = D * 4


def setup_inputs(seed: int = 0) -> dict:
    key = jax.random.key(seed)
    ks = jax.random.split(key, 8)
    x = jax.random.normal(ks[0], (B, S, D), dtype=jnp.float32)
    gate_w = jax.random.normal(ks[1], (D, E), dtype=jnp.float32) * (1.0 / np.sqrt(D))
    gate_b = jnp.zeros((E,), dtype=jnp.float32)
    w1 = jax.random.normal(ks[2], (E, D, H), dtype=jnp.float32) * (1.0 / np.sqrt(D))
    b1 = jnp.zeros((E, H), dtype=jnp.float32)
    w2 = jax.random.normal(ks[3], (E, H, D), dtype=jnp.float32) * (1.0 / np.sqrt(H))
    b2 = jnp.zeros((E, D), dtype=jnp.float32)
    return {"x": x, "gate_w": gate_w, "gate_b": gate_b, "w1": w1, "b1": b1, "w2": w2, "b2": b2}


def reference(x, gate_w, gate_b, w1, b1, w2, b2):
    gate_logits = x @ gate_w + gate_b
    gate_probs = jax.nn.softmax(gate_logits, axis=-1)
    topk_val, topk_idx = jax.lax.top_k(gate_probs, 1)
    idx = topk_idx.squeeze(-1)
    score = topk_val.squeeze(-1)[..., None]
    dispatch_mask = jax.nn.one_hot(idx, E, dtype=jnp.float32)
    out = jnp.zeros_like(x)
    for i in range(E):
        mask = (idx == i).astype(jnp.float32)[..., None]
        h = jax.nn.gelu(x @ w1[i] + b1[i], approximate=False)
        e = h @ w2[i] + b2[i]
        out = out + mask * score * e
    meangate = gate_probs.mean(axis=(0, 1))
    expert_usage = dispatch_mask.mean(axis=(0, 1))
    load_balance_loss = E * (meangate * expert_usage).sum()
    return (out, load_balance_loss)

if __name__ == "__main__":
    import jax
    _d = setup_inputs()
    print(jax.jit(kernel)(*tuple(_d.values())))

</pallas_src>

<mosaic_0001>
#map = affine_map<(d0, d1) -> (0, 0)>
#map1 = affine_map<(d0, d1) -> (0)>
module attributes {stable_mosaic.version = 14 : i64} {
  func.func @sc_scatter(%arg0: i32, %arg1: i32, %arg2: memref<4096x1024xf32, #tpu.memory_space<hbm>>, %arg3: memref<4096xi32, #tpu.memory_space<hbm>>, %arg4: memref<4096x1024xf32, #tpu.memory_space<hbm>>, %arg5: memref<64xi32, #tpu.memory_space<vmem>>, %arg6: memref<64x1024xf32, #tpu.memory_space<vmem>>, %arg7: memref<!tpu.dma_semaphore, #tpu.memory_space<semaphore_mem>>) attributes {dimension_semantics = [#tpu.dimension_semantics<core_parallel>, #tpu.dimension_semantics<subcore_parallel>], iteration_bounds = array<i64: 2, 16>, scalar_prefetch = 0 : i64, scratch_operands = 3 : i64, tpu.core_type = #tpu.core_type<sc_vector_subcore>, window_params = [{transform_indices = #map}, {transform_indices = #map1}, {transform_indices = #map}]} {
    %mul3A = arith.constant 2 : i32
    %mul3A_0 = arith.muli %arg1, %mul3A : i32
    %add3A = arith.addi %mul3A_0, %arg0 : i32
    %mul3A_1 = arith.constant 128 : i32
    %mul3A_2 = arith.muli %add3A, %mul3A_1 : i32
    %add3A_3 = arith.constant 0 : i32
    %add3A_4 = arith.addi %mul3A_2, %add3A_3 : i32
    "tpu.region"() ({
      %run_scoped3A = tpu.sem_alloc : memref<!tpu.dma_semaphore, #tpu.memory_space<semaphore_mem>>
      %dma_start3A_17 = tpu.memref_slice %arg3[%add3A_4] : memref<4096xi32, #tpu.memory_space<hbm>> -> memref<64xi32, #tpu.memory_space<hbm>>
      %dma_start3A_18 = tpu.memref_slice %arg3[%add3A_4] : memref<4096xi32, #tpu.memory_space<hbm>> -> memref<64xi32, #tpu.memory_space<hbm>>
      tpu.enqueue_dma source(%dma_start3A_18 : memref<64xi32, #tpu.memory_space<hbm>>) target(%arg5 : memref<64xi32, #tpu.memory_space<vmem>>) target_semaphore(%run_scoped3A : memref<!tpu.dma_semaphore, #tpu.memory_space<semaphore_mem>>)
      %dma_wait3A_19 = tpu.memref_slice %arg3[%add3A_4] : memref<4096xi32, #tpu.memory_space<hbm>> -> memref<64xi32, #tpu.memory_space<hbm>>
      %dma_wait3A_20 = tpu.memref_slice %arg3[%add3A_4] : memref<4096xi32, #tpu.memory_space<hbm>> -> memref<64xi32, #tpu.memory_space<hbm>>
      tpu.wait_dma2 semaphore(%run_scoped3A : memref<!tpu.dma_semaphore, #tpu.memory_space<semaphore_mem>>) src(%dma_wait3A_20 : memref<64xi32, #tpu.memory_space<hbm>>) dst(%arg5 : memref<64xi32, #tpu.memory_space<vmem>>)
      tpu.yield
    }) : () -> ()
    "tpu.region"() ({
      %run_scoped3A = tpu.sem_alloc : memref<!tpu.dma_semaphore, #tpu.memory_space<semaphore_mem>>
      %dma_start3A_17 = arith.constant 0 : i32
      %dma_start3A_18 = tpu.memref_slice %arg2[%add3A_4, %dma_start3A_17] : memref<4096x1024xf32, #tpu.memory_space<hbm>> -> memref<64x1024xf32, #tpu.memory_space<hbm>>
      %dma_start3A_19 = arith.constant 0 : i32
      %dma_start3A_20 = tpu.memref_slice %arg2[%add3A_4, %dma_start3A_19] : memref<4096x1024xf32, #tpu.memory_space<hbm>> -> memref<64x1024xf32, #tpu.memory_space<hbm>>
      tpu.enqueue_dma source(%dma_start3A_20 : memref<64x1024xf32, #tpu.memory_space<hbm>>) target(%arg6 : memref<64x1024xf32, #tpu.memory_space<vmem>>) target_semaphore(%run_scoped3A : memref<!tpu.dma_semaphore, #tpu.memory_space<semaphore_mem>>)
      %dma_wait3A_21 = arith.constant 0 : i32
      %dma_wait3A_22 = tpu.memref_slice %arg2[%add3A_4, %dma_wait3A_21] : memref<4096x1024xf32, #tpu.memory_space<hbm>> -> memref<64x1024xf32, #tpu.memory_space<hbm>>
      %dma_wait3A_23 = arith.constant 0 : i32
      %dma_wait3A_24 = tpu.memref_slice %arg2[%add3A_4, %dma_wait3A_23] : memref<4096x1024xf32, #tpu.memory_space<hbm>> -> memref<64x1024xf32, #tpu.memory_space<hbm>>
      tpu.wait_dma2 semaphore(%run_scoped3A : memref<!tpu.dma_semaphore, #tpu.memory_space<semaphore_mem>>) src(%dma_wait3A_24 : memref<64x1024xf32, #tpu.memory_space<hbm>>) dst(%arg6 : memref<64x1024xf32, #tpu.memory_space<vmem>>)
      tpu.yield
    }) : () -> ()
    %dma_start3A = arith.constant 0 : i32
    %dma_start3A_5 = arith.constant 0 : i32
    %dma_start3A_6 = tpu.memref_slice %arg4[%dma_start3A, %dma_start3A_5] : memref<4096x1024xf32, #tpu.memory_space<hbm>> -> memref<4096x1024xf32, #tpu.memory_space<hbm>>
    tpu.enqueue_indirect_dma source(%arg6 : memref<64x1024xf32, #tpu.memory_space<vmem>>) target(%dma_start3A_6 : memref<4096x1024xf32, #tpu.memory_space<hbm>>) offsets(%arg5 : memref<64xi32, #tpu.memory_space<vmem>>) semaphore(%arg7 : memref<!tpu.dma_semaphore, #tpu.memory_space<semaphore_mem>>)
    %dma_wait3A = arith.constant 0 : i32
    %dma_wait3A_7 = arith.constant 0 : i32
    %dma_wait3A_8 = tpu.memref_slice %arg4[%dma_wait3A, %dma_wait3A_7] : memref<4096x1024xf32, #tpu.memory_space<hbm>> -> memref<4096x1024xf32, #tpu.memory_space<hbm>>
    tpu.wait_indirect_dma semaphore(%arg7 : memref<!tpu.dma_semaphore, #tpu.memory_space<semaphore_mem>>) src(%arg6 : memref<64x1024xf32, #tpu.memory_space<vmem>>) dst(%dma_wait3A_8 : memref<4096x1024xf32, #tpu.memory_space<hbm>>)
    %add3A_9 = arith.constant 64 : i32
    %add3A_10 = arith.addi %mul3A_2, %add3A_9 : i32
    "tpu.region"() ({
      %run_scoped3A = tpu.sem_alloc : memref<!tpu.dma_semaphore, #tpu.memory_space<semaphore_mem>>
      %dma_start3A_17 = tpu.memref_slice %arg3[%add3A_10] : memref<4096xi32, #tpu.memory_space<hbm>> -> memref<64xi32, #tpu.memory_space<hbm>>
      %dma_start3A_18 = tpu.memref_slice %arg3[%add3A_10] : memref<4096xi32, #tpu.memory_space<hbm>> -> memref<64xi32, #tpu.memory_space<hbm>>
      tpu.enqueue_dma source(%dma_start3A_18 : memref<64xi32, #tpu.memory_space<hbm>>) target(%arg5 : memref<64xi32, #tpu.memory_space<vmem>>) target_semaphore(%run_scoped3A : memref<!tpu.dma_semaphore, #tpu.memory_space<semaphore_mem>>)
      %dma_wait3A_19 = tpu.memref_slice %arg3[%add3A_10] : memref<4096xi32, #tpu.memory_space<hbm>> -> memref<64xi32, #tpu.memory_space<hbm>>
      %dma_wait3A_20 = tpu.memref_slice %arg3[%add3A_10] : memref<4096xi32, #tpu.memory_space<hbm>> -> memref<64xi32, #tpu.memory_space<hbm>>
      tpu.wait_dma2 semaphore(%run_scoped3A : memref<!tpu.dma_semaphore, #tpu.memory_space<semaphore_mem>>) src(%dma_wait3A_20 : memref<64xi32, #tpu.memory_space<hbm>>) dst(%arg5 : memref<64xi32, #tpu.memory_space<vmem>>)
      tpu.yield
    }) : () -> ()
    "tpu.region"() ({
      %run_scoped3A = tpu.sem_alloc : memref<!tpu.dma_semaphore, #tpu.memory_space<semaphore_mem>>
      %dma_start3A_17 = arith.constant 0 : i32
      %dma_start3A_18 = tpu.memref_slice %arg2[%add3A_10, %dma_start3A_17] : memref<4096x1024xf32, #tpu.memory_space<hbm>> -> memref<64x1024xf32, #tpu.memory_space<hbm>>
      %dma_start3A_19 = arith.constant 0 : i32
      %dma_start3A_20 = tpu.memref_slice %arg2[%add3A_10, %dma_start3A_19] : memref<4096x1024xf32, #tpu.memory_space<hbm>> -> memref<64x1024xf32, #tpu.memory_space<hbm>>
      tpu.enqueue_dma source(%dma_start3A_20 : memref<64x1024xf32, #tpu.memory_space<hbm>>) target(%arg6 : memref<64x1024xf32, #tpu.memory_space<vmem>>) target_semaphore(%run_scoped3A : memref<!tpu.dma_semaphore, #tpu.memory_space<semaphore_mem>>)
      %dma_wait3A_21 = arith.constant 0 : i32
      %dma_wait3A_22 = tpu.memref_slice %arg2[%add3A_10, %dma_wait3A_21] : memref<4096x1024xf32, #tpu.memory_space<hbm>> -> memref<64x1024xf32, #tpu.memory_space<hbm>>
      %dma_wait3A_23 = arith.constant 0 : i32
      %dma_wait3A_24 = tpu.memref_slice %arg2[%add3A_10, %dma_wait3A_23] : memref<4096x1024xf32, #tpu.memory_space<hbm>> -> memref<64x1024xf32, #tpu.memory_space<hbm>>
      tpu.wait_dma2 semaphore(%run_scoped3A : memref<!tpu.dma_semaphore, #tpu.memory_space<semaphore_mem>>) src(%dma_wait3A_24 : memref<64x1024xf32, #tpu.memory_space<hbm>>) dst(%arg6 : memref<64x1024xf32, #tpu.memory_space<vmem>>)
      tpu.yield
    }) : () -> ()
    %dma_start3A_11 = arith.constant 0 : i32
    %dma_start3A_12 = arith.constant 0 : i32
    %dma_start3A_13 = tpu.memref_slice %arg4[%dma_start3A_11, %dma_start3A_12] : memref<4096x1024xf32, #tpu.memory_space<hbm>> -> memref<4096x1024xf32, #tpu.memory_space<hbm>>
    tpu.enqueue_indirect_dma source(%arg6 : memref<64x1024xf32, #tpu.memory_space<vmem>>) target(%dma_start3A_13 : memref<4096x1024xf32, #tpu.memory_space<hbm>>) offsets(%arg5 : memref<64xi32, #tpu.memory_space<vmem>>) semaphore(%arg7 : memref<!tpu.dma_semaphore, #tpu.memory_space<semaphore_mem>>)
    %dma_wait3A_14 = arith.constant 0 : i32
    %dma_wait3A_15 = arith.constant 0 : i32
    %dma_wait3A_16 = tpu.memref_slice %arg4[%dma_wait3A_14, %dma_wait3A_15] : memref<4096x1024xf32, #tpu.memory_space<hbm>> -> memref<4096x1024xf32, #tpu.memory_space<hbm>>
    tpu.wait_indirect_dma semaphore(%arg7 : memref<!tpu.dma_semaphore, #tpu.memory_space<semaphore_mem>>) src(%arg6 : memref<64x1024xf32, #tpu.memory_space<vmem>>) dst(%dma_wait3A_16 : memref<4096x1024xf32, #tpu.memory_space<hbm>>)
    return
  }
}

#map = affine_map<(d0, d1) -> (0, 0)>
#map1 = affine_map<(d0, d1) -> (0)>
module attributes {stable_mosaic.version = 14 : i64} {
  func.func @sc_gather(%arg0: i32, %arg1: i32, %arg2: memref<4096x1024xf32, #tpu.memory_space<hbm>>, %arg3: memref<4096xi32, #tpu.memory_space<hbm>>, %arg4: memref<4096x1024xf32, #tpu.memory_space<hbm>>, %arg5: memref<64xi32, #tpu.memory_space<vmem>>, %arg6: memref<64x1024xf32, #tpu.memory_space<vmem>>, %arg7: memref<!tpu.dma_semaphore, #tpu.memory_space<semaphore_mem>>) attributes {dimension_semantics = [#tpu.dimension_semantics<core_parallel>, #tpu.dimension_semantics<subcore_parallel>], iteration_bounds = array<i64: 2, 16>, scalar_prefetch = 0 : i64, scratch_operands = 3 : i64, tpu.core_type = #tpu.core_type<sc_vector_subcore>, window_params = [{transform_indices = #map}, {transform_indices = #map1}, {transform_indices = #map}]} {
    %mul3A = arith.constant 2 : i32
    %mul3A_0 = arith.muli %arg1, %mul3A : i32
    %add3A = arith.addi %mul3A_0, %arg0 : i32
    %mul3A_1 = arith.constant 128 : i32
    %mul3A_2 = arith.muli %add3A, %mul3A_1 : i32
    %add3A_3 = arith.constant 0 : i32
    %add3A_4 = arith.addi %mul3A_2, %add3A_3 : i32
    "tpu.region"() ({
      %run_scoped3A = tpu.sem_alloc : memref<!tpu.dma_semaphore, #tpu.memory_space<semaphore_mem>>
      %dma_start3A_17 = tpu.memref_slice %arg3[%add3A_4] : memref<4096xi32, #tpu.memory_space<hbm>> -> memref<64xi32, #tpu.memory_space<hbm>>
      %dma_start3A_18 = tpu.memref_slice %arg3[%add3A_4] : memref<4096xi32, #tpu.memory_space<hbm>> -> memref<64xi32, #tpu.memory_space<hbm>>
      tpu.enqueue_dma source(%dma_start3A_18 : memref<64xi32, #tpu.memory_space<hbm>>) target(%arg5 : memref<64xi32, #tpu.memory_space<vmem>>) target_semaphore(%run_scoped3A : memref<!tpu.dma_semaphore, #tpu.memory_space<semaphore_mem>>)
      %dma_wait3A_19 = tpu.memref_slice %arg3[%add3A_4] : memref<4096xi32, #tpu.memory_space<hbm>> -> memref<64xi32, #tpu.memory_space<hbm>>
      %dma_wait3A_20 = tpu.memref_slice %arg3[%add3A_4] : memref<4096xi32, #tpu.memory_space<hbm>> -> memref<64xi32, #tpu.memory_space<hbm>>
      tpu.wait_dma2 semaphore(%run_scoped3A : memref<!tpu.dma_semaphore, #tpu.memory_space<semaphore_mem>>) src(%dma_wait3A_20 : memref<64xi32, #tpu.memory_space<hbm>>) dst(%arg5 : memref<64xi32, #tpu.memory_space<vmem>>)
      tpu.yield
    }) : () -> ()
    %dma_start3A = arith.constant 0 : i32
    %dma_start3A_5 = arith.constant 0 : i32
    %dma_start3A_6 = tpu.memref_slice %arg2[%dma_start3A, %dma_start3A_5] : memref<4096x1024xf32, #tpu.memory_space<hbm>> -> memref<4096x1024xf32, #tpu.memory_space<hbm>>
    tpu.enqueue_indirect_dma source(%dma_start3A_6 : memref<4096x1024xf32, #tpu.memory_space<hbm>>) target(%arg6 : memref<64x1024xf32, #tpu.memory_space<vmem>>) offsets(%arg5 : memref<64xi32, #tpu.memory_space<vmem>>) semaphore(%arg7 : memref<!tpu.dma_semaphore, #tpu.memory_space<semaphore_mem>>)
    %dma_wait3A = arith.constant 0 : i32
    %dma_wait3A_7 = arith.constant 0 : i32
    %dma_wait3A_8 = tpu.memref_slice %arg2[%dma_wait3A, %dma_wait3A_7] : memref<4096x1024xf32, #tpu.memory_space<hbm>> -> memref<4096x1024xf32, #tpu.memory_space<hbm>>
    tpu.wait_indirect_dma semaphore(%arg7 : memref<!tpu.dma_semaphore, #tpu.memory_space<semaphore_mem>>) src(%dma_wait3A_8 : memref<4096x1024xf32, #tpu.memory_space<hbm>>) dst(%arg6 : memref<64x1024xf32, #tpu.memory_space<vmem>>)
    "tpu.region"() ({
      %run_scoped3A = tpu.sem_alloc : memref<!tpu.dma_semaphore, #tpu.memory_space<semaphore_mem>>
      %dma_start3A_17 = arith.constant 0 : i32
      %dma_start3A_18 = tpu.memref_slice %arg4[%add3A_4, %dma_start3A_17] : memref<4096x1024xf32, #tpu.memory_space<hbm>> -> memref<64x1024xf32, #tpu.memory_space<hbm>>
      %dma_start3A_19 = arith.constant 0 : i32
      %dma_start3A_20 = tpu.memref_slice %arg4[%add3A_4, %dma_start3A_19] : memref<4096x1024xf32, #tpu.memory_space<hbm>> -> memref<64x1024xf32, #tpu.memory_space<hbm>>
      tpu.enqueue_dma source(%arg6 : memref<64x1024xf32, #tpu.memory_space<vmem>>) target(%dma_start3A_20 : memref<64x1024xf32, #tpu.memory_space<hbm>>) target_semaphore(%run_scoped3A : memref<!tpu.dma_semaphore, #tpu.memory_space<semaphore_mem>>)
      %dma_wait3A_21 = arith.constant 0 : i32
      %dma_wait3A_22 = tpu.memref_slice %arg4[%add3A_4, %dma_wait3A_21] : memref<4096x1024xf32, #tpu.memory_space<hbm>> -> memref<64x1024xf32, #tpu.memory_space<hbm>>
      %dma_wait3A_23 = arith.constant 0 : i32
      %dma_wait3A_24 = tpu.memref_slice %arg4[%add3A_4, %dma_wait3A_23] : memref<4096x1024xf32, #tpu.memory_space<hbm>> -> memref<64x1024xf32, #tpu.memory_space<hbm>>
      tpu.wait_dma2 semaphore(%run_scoped3A : memref<!tpu.dma_semaphore, #tpu.memory_space<semaphore_mem>>) src(%arg6 : memref<64x1024xf32, #tpu.memory_space<vmem>>) dst(%dma_wait3A_24 : memref<64x1024xf32, #tpu.memory_space<hbm>>)
      tpu.yield
    }) : () -> ()
    %add3A_9 = arith.constant 64 : i32
    %add3A_10 = arith.addi %mul3A_2, %add3A_9 : i32
    "tpu.region"() ({
      %run_scoped3A = tpu.sem_alloc : memref<!tpu.dma_semaphore, #tpu.memory_space<semaphore_mem>>
      %dma_start3A_17 = tpu.memref_slice %arg3[%add3A_10] : memref<4096xi32, #tpu.memory_space<hbm>> -> memref<64xi32, #tpu.memory_space<hbm>>
      %dma_start3A_18 = tpu.memref_slice %arg3[%add3A_10] : memref<4096xi32, #tpu.memory_space<hbm>> -> memref<64xi32, #tpu.memory_space<hbm>>
      tpu.enqueue_dma source(%dma_start3A_18 : memref<64xi32, #tpu.memory_space<hbm>>) target(%arg5 : memref<64xi32, #tpu.memory_space<vmem>>) target_semaphore(%run_scoped3A : memref<!tpu.dma_semaphore, #tpu.memory_space<semaphore_mem>>)
      %dma_wait3A_19 = tpu.memref_slice %arg3[%add3A_10] : memref<4096xi32, #tpu.memory_space<hbm>> -> memref<64xi32, #tpu.memory_space<hbm>>
      %dma_wait3A_20 = tpu.memref_slice %arg3[%add3A_10] : memref<4096xi32, #tpu.memory_space<hbm>> -> memref<64xi32, #tpu.memory_space<hbm>>
      tpu.wait_dma2 semaphore(%run_scoped3A : memref<!tpu.dma_semaphore, #tpu.memory_space<semaphore_mem>>) src(%dma_wait3A_20 : memref<64xi32, #tpu.memory_space<hbm>>) dst(%arg5 : memref<64xi32, #tpu.memory_space<vmem>>)
      tpu.yield
    }) : () -> ()
    %dma_start3A_11 = arith.constant 0 : i32
    %dma_start3A_12 = arith.constant 0 : i32
    %dma_start3A_13 = tpu.memref_slice %arg2[%dma_start3A_11, %dma_start3A_12] : memref<4096x1024xf32, #tpu.memory_space<hbm>> -> memref<4096x1024xf32, #tpu.memory_space<hbm>>
    tpu.enqueue_indirect_dma source(%dma_start3A_13 : memref<4096x1024xf32, #tpu.memory_space<hbm>>) target(%arg6 : memref<64x1024xf32, #tpu.memory_space<vmem>>) offsets(%arg5 : memref<64xi32, #tpu.memory_space<vmem>>) semaphore(%arg7 : memref<!tpu.dma_semaphore, #tpu.memory_space<semaphore_mem>>)
    %dma_wait3A_14 = arith.constant 0 : i32
    %dma_wait3A_15 = arith.constant 0 : i32
    %dma_wait3A_16 = tpu.memref_slice %arg2[%dma_wait3A_14, %dma_wait3A_15] : memref<4096x1024xf32, #tpu.memory_space<hbm>> -> memref<4096x1024xf32, #tpu.memory_space<hbm>>
    tpu.wait_indirect_dma semaphore(%arg7 : memref<!tpu.dma_semaphore, #tpu.memory_space<semaphore_mem>>) src(%dma_wait3A_16 : memref<4096x1024xf32, #tpu.memory_space<hbm>>) dst(%arg6 : memref<64x1024xf32, #tpu.memory_space<vmem>>)
    "tpu.region"() ({
      %run_scoped3A = tpu.sem_alloc : memref<!tpu.dma_semaphore, #tpu.memory_space<semaphore_mem>>
      %dma_start3A_17 = arith.constant 0 : i32
      %dma_start3A_18 = tpu.memref_slice %arg4[%add3A_10, %dma_start3A_17] : memref<4096x1024xf32, #tpu.memory_space<hbm>> -> memref<64x1024xf32, #tpu.memory_space<hbm>>
      %dma_start3A_19 = arith.constant 0 : i32
      %dma_start3A_20 = tpu.memref_slice %arg4[%add3A_10, %dma_start3A_19] : memref<4096x1024xf32, #tpu.memory_space<hbm>> -> memref<64x1024xf32, #tpu.memory_space<hbm>>
      tpu.enqueue_dma source(%arg6 : memref<64x1024xf32, #tpu.memory_space<vmem>>) target(%dma_start3A_20 : memref<64x1024xf32, #tpu.memory_space<hbm>>) target_semaphore(%run_scoped3A : memref<!tpu.dma_semaphore, #tpu.memory_space<semaphore_mem>>)
      %dma_wait3A_21 = arith.constant 0 : i32
      %dma_wait3A_22 = tpu.memref_slice %arg4[%add3A_10, %dma_wait3A_21] : memref<4096x1024xf32, #tpu.memory_space<hbm>> -> memref<64x1024xf32, #tpu.memory_space<hbm>>
      %dma_wait3A_23 = arith.constant 0 : i32
      %dma_wait3A_24 = tpu.memref_slice %arg4[%add3A_10, %dma_wait3A_23] : memref<4096x1024xf32, #tpu.memory_space<hbm>> -> memref<64x1024xf32, #tpu.memory_space<hbm>>
      tpu.wait_dma2 semaphore(%run_scoped3A : memref<!tpu.dma_semaphore, #tpu.memory_space<semaphore_mem>>) src(%arg6 : memref<64x1024xf32, #tpu.memory_space<vmem>>) dst(%dma_wait3A_24 : memref<64x1024xf32, #tpu.memory_space<hbm>>)
      tpu.yield
    }) : () -> ()
    return
  }
}

module attributes {stable_mosaic.version = 14 : i64} {
  func.func @_gate_body(%arg0: i32, %arg1: memref<512x1024xf32, #tpu.memory_space<vmem>>, %arg2: memref<1024x8xf32, #tpu.memory_space<vmem>>, %arg3: memref<1x8xf32, #tpu.memory_space<vmem>>, %arg4: memref<512x1xi32, #tpu.memory_space<vmem>>, %arg5: memref<512x1xf32, #tpu.memory_space<vmem>>, %arg6: memref<512x1xi32, #tpu.memory_space<vmem>>, %arg7: memref<1x8xf32, #tpu.memory_space<vmem>>, %arg8: memref<1x8xf32, #tpu.memory_space<vmem>>, %arg9: memref<1x1xf32, #tpu.memory_space<vmem>>) attributes {dimension_semantics = [#tpu.dimension_semantics<arbitrary>], iteration_bounds = array<i64: 8>, scalar_prefetch = 0 : i64, scratch_operands = 0 : i64, tpu.core_type = #tpu.core_type<tc>, window_params = [{transform_indices = @transform_0, window_bounds = array<i64: 512, 1024>}, {pipeline_mode = #tpu.pipeline_mode<synchronous>, transform_indices = @transform_1, window_bounds = array<i64: 1024, 8>}, {pipeline_mode = #tpu.pipeline_mode<synchronous>, transform_indices = @transform_2, window_bounds = array<i64: 1, 8>}, {transform_indices = @transform_3, window_bounds = array<i64: 512, 1>}, {transform_indices = @transform_4, window_bounds = array<i64: 512, 1>}, {transform_indices = @transform_5, window_bounds = array<i64: 512, 1>}, {pipeline_mode = #tpu.pipeline_mode<synchronous>, transform_indices = @transform_6, window_bounds = array<i64: 1, 8>}, {pipeline_mode = #tpu.pipeline_mode<synchronous>, transform_indices = @transform_7, window_bounds = array<i64: 1, 8>}, {pipeline_mode = #tpu.pipeline_mode<synchronous>, transform_indices = @transform_8, window_bounds = array<i64: 1, 1>}]} {
    %get3A = arith.constant 0 : index
    %get3A_0 = arith.constant 0 : index
    %get3A_1 = vector.load %arg1[%get3A, %get3A_0] : memref<512x1024xf32, #tpu.memory_space<vmem>>, vector<512x1024xf32>
    %get3A_2 = arith.constant 0 : index
    %get3A_3 = arith.constant 0 : index
    %get3A_4 = vector.load %arg2[%get3A_2, %get3A_3] : memref<1024x8xf32, #tpu.memory_space<vmem>>, vector<1024x8xf32>
    %dot_general3A = arith.constant dense<0.000000e+00> : vector<512x8xf32>
    %dot_general3A_5 = tpu.matmul %get3A_1, %get3A_4, %dot_general3A {dimension_numbers = #tpu.dot_dimension_numbers<[1], [0], [0], [1], [0, 0, 1, 1], [], []>, transpose_lhs_hint = false} : vector<512x1024xf32>, vector<1024x8xf32>, vector<512x8xf32> -> vector<512x8xf32>
    %get3A_6 = arith.constant 0 : index
    %get3A_7 = arith.constant 0 : index
    %get3A_8 = vector.load %arg3[%get3A_6, %get3A_7] : memref<1x8xf32, #tpu.memory_space<vmem>>, vector<1x8xf32>
    %add3A = vector.broadcast %get3A_8 : vector<1x8xf32> to vector<512x8xf32>
    %add3A_9 = arith.addf %dot_general3A_5, %add3A : vector<512x8xf32>
    %reduce_max3A = arith.constant dense<0xFF800000> : vector<512xf32>
    %reduce_max3A_10 = vector.multi_reduction <maximumf>, %add3A_9, %reduce_max3A [1] : vector<512x8xf32> to vector<512xf32>
    %broadcast_in_dim3A = vector.shape_cast %reduce_max3A_10 : vector<512xf32> to vector<512x1xf32>
    %sub3A = vector.broadcast %broadcast_in_dim3A : vector<512x1xf32> to vector<512x8xf32>
    %sub3A_11 = arith.subf %add3A_9, %sub3A : vector<512x8xf32>
    %exp3A = math.exp %sub3A_11 : vector<512x8xf32>
    %reduce_sum3A = arith.constant dense<0.000000e+00> : vector<512xf32>
    %reduce_sum3A_12 = vector.multi_reduction <add>, %exp3A, %reduce_sum3A [1] : vector<512x8xf32> to vector<512xf32>
    %broadcast_in_dim3A_13 = vector.shape_cast %reduce_sum3A_12 : vector<512xf32> to vector<512x1xf32>
    %div3A = vector.broadcast %broadcast_in_dim3A_13 : vector<512x1xf32> to vector<512x8xf32>
    %div3A_14 = arith.divf %exp3A, %div3A : vector<512x8xf32>
    %reduce_max3A_15 = arith.constant dense<0xFF800000> : vector<512xf32>
    %reduce_max3A_16 = vector.multi_reduction <maximumf>, %div3A_14, %reduce_max3A_15 [1] : vector<512x8xf32> to vector<512xf32>
    %broadcast_in_dim3A_17 = vector.shape_cast %reduce_max3A_16 : vector<512xf32> to vector<512x1xf32>
    %iota3A = tpu.iota {dimensions = array<i32: 1>} : vector<512x8xi32>
    %eq3A = vector.broadcast %broadcast_in_dim3A_17 : vector<512x1xf32> to vector<512x8xf32>
    %eq3A_18 = arith.cmpf oeq, %div3A_14, %eq3A : vector<512x8xf32>
    %jit3A = arith.constant 8 : i32
    %broadcast_in_dim3A_19 = vector.broadcast %jit3A : i32 to vector<512x8xi32>
    %select_n3A = arith.select %eq3A_18, %iota3A, %broadcast_in_dim3A_19 : vector<512x8xi1>, vector<512x8xi32>
    %reduce_min3A = arith.constant dense<2147483647> : vector<512xi32>
    %reduce_min3A_20 = vector.multi_reduction <minsi>, %select_n3A, %reduce_min3A [1] : vector<512x8xi32> to vector<512xi32>
    %broadcast_in_dim3A_21 = vector.shape_cast %reduce_min3A_20 : vector<512xi32> to vector<512x1xi32>
    %swap3A = arith.constant 0 : index
    %swap3A_22 = arith.constant 0 : index
    %swap3A_23 = vector.load %arg4[%swap3A, %swap3A_22] : memref<512x1xi32, #tpu.memory_space<vmem>>, vector<512x1xi32>
    tpu.vector_store %arg4[%swap3A, %swap3A_22], %broadcast_in_dim3A_21 {strides = array<i32>} : memref<512x1xi32, #tpu.memory_space<vmem>>, vector<512x1xi32>,
    %swap3A_24 = arith.constant 0 : index
    %swap3A_25 = arith.constant 0 : index
    %swap3A_26 = vector.load %arg5[%swap3A_24, %swap3A_25] : memref<512x1xf32, #tpu.memory_space<vmem>>, vector<512x1xf32>
    tpu.vector_store %arg5[%swap3A_24, %swap3A_25], %broadcast_in_dim3A_17 {strides = array<i32>} : memref<512x1xf32, #tpu.memory_space<vmem>>, vector<512x1xf32>,
    %eq3A_27 = arith.constant 0 : i32
    %eq3A_28 = arith.cmpi eq, %arg0, %eq3A_27 : i32
    %convert_element_type3A = arith.extui %eq3A_28 : i1 to i32
    %cond3A = arith.constant 0 : i32
    %cond3A_29 = arith.cmpi ne, %convert_element_type3A, %cond3A : i32
    scf.if %cond3A_29 {
      %broadcast_in_dim3A_77 = arith.constant 0.000000e+00 : f32
      %broadcast_in_dim3A_78 = vector.broadcast %broadcast_in_dim3A_77 : f32 to vector<1x8xf32>
      %swap3A_79 = arith.constant 0 : index
      %swap3A_80 = arith.constant 0 : index
      %swap3A_81 = vector.load %arg7[%swap3A_79, %swap3A_80] : memref<1x8xf32, #tpu.memory_space<vmem>>, vector<1x8xf32>
      tpu.vector_store %arg7[%swap3A_79, %swap3A_80], %broadcast_in_dim3A_78 {strides = array<i32>} : memref<1x8xf32, #tpu.memory_space<vmem>>, vector<1x8xf32>,
      %broadcast_in_dim3A_82 = arith.constant 0.000000e+00 : f32
      %broadcast_in_dim3A_83 = vector.broadcast %broadcast_in_dim3A_82 : f32 to vector<1x8xf32>
      %swap3A_84 = arith.constant 0 : index
      %swap3A_85 = arith.constant 0 : index
      %swap3A_86 = vector.load %arg8[%swap3A_84, %swap3A_85] : memref<1x8xf32, #tpu.memory_space<vmem>>, vector<1x8xf32>
      tpu.vector_store %arg8[%swap3A_84, %swap3A_85], %broadcast_in_dim3A_83 {strides = array<i32>} : memref<1x8xf32, #tpu.memory_space<vmem>>, vector<1x8xf32>,
      %broadcast_in_dim3A_87 = arith.constant 0.000000e+00 : f32
      %broadcast_in_dim3A_88 = vector.broadcast %broadcast_in_dim3A_87 : f32 to vector<1x1xf32>
      %swap3A_89 = arith.constant 0 : index
      %swap3A_90 = arith.constant 0 : index
      %swap3A_91 = vector.load %arg9[%swap3A_89, %swap3A_90] : memref<1x1xf32, #tpu.memory_space<vmem>>, vector<1x1xf32>
      tpu.vector_store %arg9[%swap3A_89, %swap3A_90], %broadcast_in_dim3A_88 {strides = array<i32>} : memref<1x1xf32, #tpu.memory_space<vmem>>, vector<1x1xf32>,
    } else {
    }
    %eq3A_30 = vector.broadcast %broadcast_in_dim3A_21 : vector<512x1xi32> to vector<512x8xi32>
    %eq3A_31 = arith.cmpi eq, %iota3A, %eq3A_30 : vector<512x8xi32>
    %convert_element_type3A_32 = arith.extui %eq3A_31 : vector<512x8xi1> to vector<512x8xi32>
    %convert_element_type3A_33 = arith.sitofp %convert_element_type3A_32 : vector<512x8xi32> to vector<512x8xf32>
    %iota3A_34 = tpu.iota {dimensions = array<i32: 0>} : vector<512x512xi32>
    %iota3A_35 = tpu.iota {dimensions = array<i32: 1>} : vector<512x512xi32>
    %gt3A = arith.cmpi sgt, %iota3A_34, %iota3A_35 : vector<512x512xi32>
    %convert_element_type3A_36 = arith.extui %gt3A : vector<512x512xi1> to vector<512x512xi32>
    %convert_element_type3A_37 = arith.sitofp %convert_element_type3A_36 : vector<512x512xi32> to vector<512x512xf32>
    %dot_general3A_38 = arith.constant dense<0.000000e+00> : vector<512x8xf32>
    %dot_general3A_39 = tpu.matmul %convert_element_type3A_37, %convert_element_type3A_33, %dot_general3A_38 {dimension_numbers = #tpu.dot_dimension_numbers<[1], [0], [0], [1], [0, 0, 1, 1], [], []>, transpose_lhs_hint = false} : vector<512x512xf32>, vector<512x8xf32>, vector<512x8xf32> -> vector<512x8xf32>
    %get3A_40 = arith.constant 0 : index
    %get3A_41 = arith.constant 0 : index
    %get3A_42 = vector.load %arg8[%get3A_40, %get3A_41] : memref<1x8xf32, #tpu.memory_space<vmem>>, vector<1x8xf32>
    %add3A_43 = vector.broadcast %get3A_42 : vector<1x8xf32> to vector<512x8xf32>
    %add3A_44 = arith.addf %dot_general3A_39, %add3A_43 : vector<512x8xf32>
    %mul3A = arith.mulf %add3A_44, %convert_element_type3A_33 : vector<512x8xf32>
    %reduce_sum3A_45 = arith.constant dense<0.000000e+00> : vector<512xf32>
    %reduce_sum3A_46 = vector.multi_reduction <add>, %mul3A, %reduce_sum3A_45 [1] : vector<512x8xf32> to vector<512xf32>
    %broadcast_in_dim3A_47 = vector.shape_cast %reduce_sum3A_46 : vector<512xf32> to vector<512x1xf32>
    %convert_element_type3A_48 = arith.fptosi %broadcast_in_dim3A_47 : vector<512x1xf32> to vector<512x1xi32>
    %swap3A_49 = arith.constant 0 : index
    %swap3A_50 = arith.constant 0 : index
    %swap3A_51 = vector.load %arg6[%swap3A_49, %swap3A_50] : memref<512x1xi32, #tpu.memory_space<vmem>>, vector<512x1xi32>
    tpu.vector_store %arg6[%swap3A_49, %swap3A_50], %convert_element_type3A_48 {strides = array<i32>} : memref<512x1xi32, #tpu.memory_space<vmem>>, vector<512x1xi32>,
    %get3A_52 = arith.constant 0 : index
    %get3A_53 = arith.constant 0 : index
    %get3A_54 = vector.load %arg7[%get3A_52, %get3A_53] : memref<1x8xf32, #tpu.memory_space<vmem>>, vector<1x8xf32>
    %reduce_sum3A_55 = arith.constant dense<0.000000e+00> : vector<8xf32>
    %reduce_sum3A_56 = vector.multi_reduction <add>, %div3A_14, %reduce_sum3A_55 [0] : vector<512x8xf32> to vector<8xf32>
    %broadcast_in_dim3A_57 = vector.shape_cast %reduce_sum3A_56 : vector<8xf32> to vector<1x8xf32>
    %add3A_58 = arith.addf %get3A_54, %broadcast_in_dim3A_57 : vector<1x8xf32>
    %swap3A_59 = arith.constant 0 : index
    %swap3A_60 = arith.constant 0 : index
    %swap3A_61 = vector.load %arg7[%swap3A_59, %swap3A_60] : memref<1x8xf32, #tpu.memory_space<vmem>>, vector<1x8xf32>
    tpu.vector_store %arg7[%swap3A_59, %swap3A_60], %add3A_58 {strides = array<i32>} : memref<1x8xf32, #tpu.memory_space<vmem>>, vector<1x8xf32>,
    %get3A_62 = arith.constant 0 : index
    %get3A_63 = arith.constant 0 : index
    %get3A_64 = vector.load %arg8[%get3A_62, %get3A_63] : memref<1x8xf32, #tpu.memory_space<vmem>>, vector<1x8xf32>
    %reduce_sum3A_65 = arith.constant dense<0.000000e+00> : vector<8xf32>
    %reduce_sum3A_66 = vector.multi_reduction <add>, %convert_element_type3A_33, %reduce_sum3A_65 [0] : vector<512x8xf32> to vector<8xf32>
    %broadcast_in_dim3A_67 = vector.shape_cast %reduce_sum3A_66 : vector<8xf32> to vector<1x8xf32>
    %add3A_68 = arith.addf %get3A_64, %broadcast_in_dim3A_67 : vector<1x8xf32>
    %swap3A_69 = arith.constant 0 : index
    %swap3A_70 = arith.constant 0 : index
    %swap3A_71 = vector.load %arg8[%swap3A_69, %swap3A_70] : memref<1x8xf32, #tpu.memory_space<vmem>>, vector<1x8xf32>
    tpu.vector_store %arg8[%swap3A_69, %swap3A_70], %add3A_68 {strides = array<i32>} : memref<1x8xf32, #tpu.memory_space<vmem>>, vector<1x8xf32>,
    %eq3A_72 = arith.constant 7 : i32
    %eq3A_73 = arith.cmpi eq, %arg0, %eq3A_72 : i32
    %convert_element_type3A_74 = arith.extui %eq3A_73 : i1 to i32
    %cond3A_75 = arith.constant 0 : i32
    %cond3A_76 = arith.cmpi ne, %convert_element_type3A_74, %cond3A_75 : i32
    scf.if %cond3A_76 {
      %get3A_77 = arith.constant 0 : index
      %get3A_78 = arith.constant 0 : index
      %get3A_79 = vector.load %arg7[%get3A_77, %get3A_78] : memref<1x8xf32, #tpu.memory_space<vmem>>, vector<1x8xf32>
      %get3A_80 = arith.constant 0 : index
      %get3A_81 = arith.constant 0 : index
      %get3A_82 = vector.load %arg8[%get3A_80, %get3A_81] : memref<1x8xf32, #tpu.memory_space<vmem>>, vector<1x8xf32>
      %mul3A_83 = arith.mulf %get3A_79, %get3A_82 : vector<1x8xf32>
      %reduce_sum3A_84 = vector.shape_cast %mul3A_83 : vector<1x8xf32> to vector<1x1x8xf32>
      %reduce_sum3A_85 = arith.constant dense<0.000000e+00> : vector<1xf32>
      %reduce_sum3A_86 = vector.multi_reduction <add>, %reduce_sum3A_84, %reduce_sum3A_85 [1, 2] : vector<1x1x8xf32> to vector<1xf32>
      %reduce_sum3A_87 = vector.shape_cast %reduce_sum3A_86 : vector<1xf32> to vector<1x1x1xf32>
      %reduce_sum3A_88 = vector.extract %reduce_sum3A_87[0, 0, 0] : f32 from vector<1x1x1xf32>
      %mul3A_89 = arith.constant 4.76837158E-7 : f32
      %mul3A_90 = arith.mulf %mul3A_89, %reduce_sum3A_88 : f32
      %reshape3A = vector.broadcast %mul3A_90 : f32 to vector<1x1xf32>
      %swap3A_91 = arith.constant 0 : index
      %swap3A_92 = arith.constant 0 : index
      %swap3A_93 = vector.load %arg9[%swap3A_91, %swap3A_92] : memref<1x1xf32, #tpu.memory_space<vmem>>, vector<1x1xf32>
      tpu.vector_store %arg9[%swap3A_91, %swap3A_92], %reshape3A {strides = array<i32>} : memref<1x1xf32, #tpu.memory_space<vmem>>, vector<1x1xf32>,
    } else {
    }
    return
  }
  func.func @transform_0(%arg0: i32) -> (i32, i32) {
    %c0_i32 = arith.constant 0 : i32
    %c0_i32_0 = arith.constant 0 : i32
    return %arg0, %c0_i32 : i32, i32
  }
  func.func @transform_1(%arg0: i32) -> (i32, i32) {
    %c0_i32 = arith.constant 0 : i32
    %c0_i32_0 = arith.constant 0 : i32
    %c0_i32_1 = arith.constant 0 : i32
    return %c0_i32, %c0_i32_0 : i32, i32
  }
  func.func @transform_2(%arg0: i32) -> (i32, i32) {
    %c0_i32 = arith.constant 0 : i32
    %c0_i32_0 = arith.constant 0 : i32
    %c0_i32_1 = arith.constant 0 : i32
    return %c0_i32, %c0_i32_0 : i32, i32
  }
  func.func @transform_3(%arg0: i32) -> (i32, i32) {
    %c0_i32 = arith.constant 0 : i32
    %c0_i32_0 = arith.constant 0 : i32
    return %arg0, %c0_i32 : i32, i32
  }
  func.func @transform_4(%arg0: i32) -> (i32, i32) {
    %c0_i32 = arith.constant 0 : i32
    %c0_i32_0 = arith.constant 0 : i32
    return %arg0, %c0_i32 : i32, i32
  }
  func.func @transform_5(%arg0: i32) -> (i32, i32) {
    %c0_i32 = arith.constant 0 : i32
    %c0_i32_0 = arith.constant 0 : i32
    return %arg0, %c0_i32 : i32, i32
  }
  func.func @transform_6(%arg0: i32) -> (i32, i32) {
    %c0_i32 = arith.constant 0 : i32
    %c0_i32_0 = arith.constant 0 : i32
    %c0_i32_1 = arith.constant 0 : i32
    return %c0_i32, %c0_i32_0 : i32, i32
  }
  func.func @transform_7(%arg0: i32) -> (i32, i32) {
    %c0_i32 = arith.constant 0 : i32
    %c0_i32_0 = arith.constant 0 : i32
    %c0_i32_1 = arith.constant 0 : i32
    return %c0_i32, %c0_i32_0 : i32, i32
  }
  func.func @transform_8(%arg0: i32) -> (i32, i32) {
    %c0_i32 = arith.constant 0 : i32
    %c0_i32_0 = arith.constant 0 : i32
    %c0_i32_1 = arith.constant 0 : i32
    return %c0_i32, %c0_i32_0 : i32, i32
  }
}

module attributes {stable_mosaic.version = 14 : i64} {
  func.func @_mlp_body(%arg0: i32, %arg1: i32, %arg2: memref<15xi32, #tpu.memory_space<smem>>, %arg3: memref<15xi32, #tpu.memory_space<smem>>, %arg4: memref<15xi32, #tpu.memory_space<smem>>, %arg5: memref<512x1024xbf16, #tpu.memory_space<vmem>>, %arg6: memref<1x1024x1024xf32, #tpu.memory_space<vmem>>, %arg7: memref<1x1024x1024xf32, #tpu.memory_space<vmem>>, %arg8: memref<1x1x1024xf32, #tpu.memory_space<vmem>>, %arg9: memref<1x1x1024xf32, #tpu.memory_space<vmem>>, %arg10: memref<1x512x1xf32, #tpu.memory_space<vmem>>, %arg11: memref<512x1024xf32, #tpu.memory_space<vmem>>, %arg12: memref<512x1024xf32, #tpu.memory_space<vmem>>) attributes {dimension_semantics = [#tpu.dimension_semantics<arbitrary>, #tpu.dimension_semantics<arbitrary>], iteration_bounds = array<i64: 15, 4>, scalar_prefetch = 3 : i64, scratch_operands = 1 : i64, tpu.core_type = #tpu.core_type<tc>, window_params = [{transform_indices = @transform_0, window_bounds = array<i64: 512, 1024>}, {transform_indices = @transform_1, window_bounds = array<i64: 1, 1024, 1024>}, {transform_indices = @transform_2, window_bounds = array<i64: 1, 1024, 1024>}, {transform_indices = @transform_3, window_bounds = array<i64: 1, 1, 1024>}, {transform_indices = @transform_4, window_bounds = array<i64: 1, 1, 1024>}, {transform_indices = @transform_5, window_bounds = array<i64: 1, 512, 1>}, {transform_indices = @transform_6, window_bounds = array<i64: 512, 1024>}]} {
    %get3A = arith.constant 0 : index
    %get3A_0 = arith.constant 0 : index
    %get3A_1 = vector.load %arg5[%get3A, %get3A_0] : memref<512x1024xbf16, #tpu.memory_space<vmem>>, vector<512x1024xbf16>
    %get3A_2 = arith.constant 0 : index
    %get3A_3 = arith.constant 0 : index
    %get3A_4 = arith.constant 0 : index
    %get3A_5 = vector.load %arg6[%get3A_2, %get3A_3, %get3A_4] : memref<1x1024x1024xf32, #tpu.memory_space<vmem>>, vector<1x1024x1024xf32>
    %get3A_6 = vector.shape_cast %get3A_5 : vector<1x1024x1024xf32> to vector<1024x1024xf32>
    %convert_element_type3A = arith.truncf %get3A_6 : vector<1024x1024xf32> to vector<1024x1024xbf16>
    %dot_general3A = arith.constant dense<0.000000e+00> : vector<512x1024xf32>
    %dot_general3A_7 = tpu.matmul %get3A_1, %convert_element_type3A, %dot_general3A {dimension_numbers = #tpu.dot_dimension_numbers<[1], [0], [0], [1], [0, 0, 1, 1], [], []>, transpose_lhs_hint = false} : vector<512x1024xbf16>, vector<1024x1024xbf16>, vector<512x1024xf32> -> vector<512x1024xf32>
    %get3A_8 = arith.constant 0 : index
    %get3A_9 = arith.constant 0 : index
    %get3A_10 = arith.constant 0 : index
    %get3A_11 = vector.load %arg8[%get3A_8, %get3A_9, %get3A_10] : memref<1x1x1024xf32, #tpu.memory_space<vmem>>, vector<1x1x1024xf32>
    %get3A_12 = vector.shape_cast %get3A_11 : vector<1x1x1024xf32> to vector<1x1024xf32>
    %add3A = vector.broadcast %get3A_12 : vector<1x1024xf32> to vector<512x1024xf32>
    %add3A_13 = arith.addf %dot_general3A_7, %add3A : vector<512x1024xf32>
    %mul3A = arith.constant 5.000000e-01 : f32
    %mul3A_14 = vector.broadcast %mul3A : f32 to vector<512x1024xf32>
    %mul3A_15 = arith.mulf %mul3A_14, %add3A_13 : vector<512x1024xf32>
    %mul3A_16 = arith.constant 0.707106769 : f32
    %mul3A_17 = vector.broadcast %mul3A_16 : f32 to vector<512x1024xf32>
    %mul3A_18 = arith.mulf %add3A_13, %mul3A_17 : vector<512x1024xf32>
    %erf3A = math.erf %mul3A_18 : vector<512x1024xf32>
    %add3A_19 = arith.constant 1.000000e+00 : f32
    %add3A_20 = vector.broadcast %add3A_19 : f32 to vector<512x1024xf32>
    %add3A_21 = arith.addf %add3A_20, %erf3A : vector<512x1024xf32>
    %mul3A_22 = arith.mulf %mul3A_15, %add3A_21 : vector<512x1024xf32>
    %convert_element_type3A_23 = arith.truncf %mul3A_22 : vector<512x1024xf32> to vector<512x1024xbf16>
    %get3A_24 = arith.constant 0 : index
    %get3A_25 = arith.constant 0 : index
    %get3A_26 = arith.constant 0 : index
    %get3A_27 = vector.load %arg7[%get3A_24, %get3A_25, %get3A_26] : memref<1x1024x1024xf32, #tpu.memory_space<vmem>>, vector<1x1024x1024xf32>
    %get3A_28 = vector.shape_cast %get3A_27 : vector<1x1024x1024xf32> to vector<1024x1024xf32>
    %convert_element_type3A_29 = arith.truncf %get3A_28 : vector<1024x1024xf32> to vector<1024x1024xbf16>
    %dot_general3A_30 = arith.constant dense<0.000000e+00> : vector<512x1024xf32>
    %dot_general3A_31 = tpu.matmul %convert_element_type3A_23, %convert_element_type3A_29, %dot_general3A_30 {dimension_numbers = #tpu.dot_dimension_numbers<[1], [0], [0], [1], [0, 0, 1, 1], [], []>, transpose_lhs_hint = false} : vector<512x1024xbf16>, vector<1024x1024xbf16>, vector<512x1024xf32> -> vector<512x1024xf32>
    %eq3A = arith.constant 0 : i32
    %eq3A_32 = arith.cmpi eq, %arg1, %eq3A : i32
    %convert_element_type3A_33 = arith.extui %eq3A_32 : i1 to i32
    %cond3A = arith.constant 0 : i32
    %cond3A_34 = arith.cmpi ne, %convert_element_type3A_33, %cond3A : i32
    scf.if %cond3A_34 {
      %swap3A = arith.constant 0 : index
      %swap3A_46 = arith.constant 0 : index
      %swap3A_47 = vector.load %arg12[%swap3A, %swap3A_46] : memref<512x1024xf32, #tpu.memory_space<vmem>>, vector<512x1024xf32>
      tpu.vector_store %arg12[%swap3A, %swap3A_46], %dot_general3A_31 {strides = array<i32>} : memref<512x1024xf32, #tpu.memory_space<vmem>>, vector<512x1024xf32>,
    } else {
    }
    %ne3A = arith.constant 0 : i32
    %ne3A_35 = arith.cmpi ne, %arg1, %ne3A : i32
    %ne3A_36 = arith.constant 3 : i32
    %ne3A_37 = arith.cmpi ne, %arg1, %ne3A_36 : i32
    %and3A = arith.andi %ne3A_35, %ne3A_37 : i1
    %convert_element_type3A_38 = arith.extui %and3A : i1 to i32
    %cond3A_39 = arith.constant 0 : i32
    %cond3A_40 = arith.cmpi ne, %convert_element_type3A_38, %cond3A_39 : i32
    scf.if %cond3A_40 {
      %get3A_46 = arith.constant 0 : index
      %get3A_47 = arith.constant 0 : index
      %get3A_48 = vector.load %arg12[%get3A_46, %get3A_47] : memref<512x1024xf32, #tpu.memory_space<vmem>>, vector<512x1024xf32>
      %add3A_49 = arith.addf %get3A_48, %dot_general3A_31 : vector<512x1024xf32>
      %swap3A = arith.constant 0 : index
      %swap3A_50 = arith.constant 0 : index
      %swap3A_51 = vector.load %arg12[%swap3A, %swap3A_50] : memref<512x1024xf32, #tpu.memory_space<vmem>>, vector<512x1024xf32>
      tpu.vector_store %arg12[%swap3A, %swap3A_50], %add3A_49 {strides = array<i32>} : memref<512x1024xf32, #tpu.memory_space<vmem>>, vector<512x1024xf32>,
    } else {
    }
    %eq3A_41 = arith.constant 3 : i32
    %eq3A_42 = arith.cmpi eq, %arg1, %eq3A_41 : i32
    %convert_element_type3A_43 = arith.extui %eq3A_42 : i1 to i32
    %cond3A_44 = arith.constant 0 : i32
    %cond3A_45 = arith.cmpi ne, %convert_element_type3A_43, %cond3A_44 : i32
    scf.if %cond3A_45 {
      %get3A_46 = arith.constant 0 : index
      %get3A_47 = arith.constant 0 : index
      %get3A_48 = arith.constant 0 : index
      %get3A_49 = vector.load %arg10[%get3A_46, %get3A_47, %get3A_48] : memref<1x512x1xf32, #tpu.memory_space<vmem>>, vector<1x512x1xf32>
      %get3A_50 = vector.shape_cast %get3A_49 : vector<1x512x1xf32> to vector<512x1xf32>
      %get3A_51 = arith.constant 0 : index
      %get3A_52 = arith.constant 0 : index
      %get3A_53 = vector.load %arg12[%get3A_51, %get3A_52] : memref<512x1024xf32, #tpu.memory_space<vmem>>, vector<512x1024xf32>
      %add3A_54 = arith.addf %get3A_53, %dot_general3A_31 : vector<512x1024xf32>
      %get3A_55 = arith.constant 0 : index
      %get3A_56 = arith.constant 0 : index
      %get3A_57 = arith.constant 0 : index
      %get3A_58 = vector.load %arg9[%get3A_55, %get3A_56, %get3A_57] : memref<1x1x1024xf32, #tpu.memory_space<vmem>>, vector<1x1x1024xf32>
      %get3A_59 = vector.shape_cast %get3A_58 : vector<1x1x1024xf32> to vector<1x1024xf32>
      %add3A_60 = vector.broadcast %get3A_59 : vector<1x1024xf32> to vector<512x1024xf32>
      %add3A_61 = arith.addf %add3A_54, %add3A_60 : vector<512x1024xf32>
      %mul3A_62 = vector.broadcast %get3A_50 : vector<512x1xf32> to vector<512x1024xf32>
      %mul3A_63 = arith.mulf %mul3A_62, %add3A_61 : vector<512x1024xf32>
      %get3A_64 = arith.index_cast %arg0 : i32 to index
      %get3A_65 = memref.load %arg4[%get3A_64] : memref<15xi32, #tpu.memory_space<smem>>
      %eq3A_66 = arith.constant 1 : i32
      %eq3A_67 = arith.cmpi eq, %get3A_65, %eq3A_66 : i32
      %convert_element_type3A_68 = arith.extui %eq3A_67 : i1 to i32
      %cond3A_69 = arith.constant 0 : i32
      %cond3A_70 = arith.cmpi ne, %convert_element_type3A_68, %cond3A_69 : i32
      scf.if %cond3A_70 {
        %swap3A = arith.constant 0 : index
        %swap3A_78 = arith.constant 0 : index
        %swap3A_79 = vector.load %arg11[%swap3A, %swap3A_78] : memref<512x1024xf32, #tpu.memory_space<vmem>>, vector<512x1024xf32>
        tpu.vector_store %arg11[%swap3A, %swap3A_78], %mul3A_63 {strides = array<i32>} : memref<512x1024xf32, #tpu.memory_space<vmem>>, vector<512x1024xf32>,
      } else {
      }
      %get3A_71 = arith.index_cast %arg0 : i32 to index
      %get3A_72 = memref.load %arg4[%get3A_71] : memref<15xi32, #tpu.memory_space<smem>>
      %eq3A_73 = arith.constant 0 : i32
      %eq3A_74 = arith.cmpi eq, %get3A_72, %eq3A_73 : i32
      %convert_element_type3A_75 = arith.extui %eq3A_74 : i1 to i32
      %cond3A_76 = arith.constant 0 : i32
      %cond3A_77 = arith.cmpi ne, %convert_element_type3A_75, %cond3A_76 : i32
      scf.if %cond3A_77 {
        %get3A_78 = arith.constant 0 : index
        %get3A_79 = arith.constant 0 : index
        %get3A_80 = vector.load %arg11[%get3A_78, %get3A_79] : memref<512x1024xf32, #tpu.memory_space<vmem>>, vector<512x1024xf32>
        %add3A_81 = arith.addf %get3A_80, %mul3A_63 : vector<512x1024xf32>
        %swap3A = arith.constant 0 : index
        %swap3A_82 = arith.constant 0 : index
        %swap3A_83 = vector.load %arg11[%swap3A, %swap3A_82] : memref<512x1024xf32, #tpu.memory_space<vmem>>, vector<512x1024xf32>
        tpu.vector_store %arg11[%swap3A, %swap3A_82], %add3A_81 {strides = array<i32>} : memref<512x1024xf32, #tpu.memory_space<vmem>>, vector<512x1024xf32>,
      } else {
      }
    } else {
    }
    return
  }
  func.func @transform_0(%arg0: i32, %arg1: i32, %arg2: memref<15xi32, #tpu.memory_space<smem>>, %arg3: memref<15xi32, #tpu.memory_space<smem>>, %arg4: memref<15xi32, #tpu.memory_space<smem>>) -> (i32, i32) {
    %get3A = arith.index_cast %arg0 : i32 to index
    %get3A_0 = memref.load %arg2[%get3A] : memref<15xi32, #tpu.memory_space<smem>>
    %c0_i32 = arith.constant 0 : i32
    %c0_i32_1 = arith.constant 0 : i32
    return %get3A_0, %c0_i32 : i32, i32
  }
  func.func @transform_1(%arg0: i32, %arg1: i32, %arg2: memref<15xi32, #tpu.memory_space<smem>>, %arg3: memref<15xi32, #tpu.memory_space<smem>>, %arg4: memref<15xi32, #tpu.memory_space<smem>>) -> (i32, i32, i32) {
    %get3A = arith.index_cast %arg0 : i32 to index
    %get3A_0 = memref.load %arg3[%get3A] : memref<15xi32, #tpu.memory_space<smem>>
    %c0_i32 = arith.constant 0 : i32
    %c0_i32_1 = arith.constant 0 : i32
    return %get3A_0, %c0_i32, %arg1 : i32, i32, i32
  }
  func.func @transform_2(%arg0: i32, %arg1: i32, %arg2: memref<15xi32, #tpu.memory_space<smem>>, %arg3: memref<15xi32, #tpu.memory_space<smem>>, %arg4: memref<15xi32, #tpu.memory_space<smem>>) -> (i32, i32, i32) {
    %get3A = arith.index_cast %arg0 : i32 to index
    %get3A_0 = memref.load %arg3[%get3A] : memref<15xi32, #tpu.memory_space<smem>>
    %c0_i32 = arith.constant 0 : i32
    %c0_i32_1 = arith.constant 0 : i32
    return %get3A_0, %arg1, %c0_i32 : i32, i32, i32
  }
  func.func @transform_3(%arg0: i32, %arg1: i32, %arg2: memref<15xi32, #tpu.memory_space<smem>>, %arg3: memref<15xi32, #tpu.memory_space<smem>>, %arg4: memref<15xi32, #tpu.memory_space<smem>>) -> (i32, i32, i32) {
    %c0_i32 = arith.constant 0 : i32
    %c0_i32_0 = arith.constant 0 : i32
    return %arg0, %c0_i32, %arg1 : i32, i32, i32
  }
  func.func @transform_4(%arg0: i32, %arg1: i32, %arg2: memref<15xi32, #tpu.memory_space<smem>>, %arg3: memref<15xi32, #tpu.memory_space<smem>>, %arg4: memref<15xi32, #tpu.memory_space<smem>>) -> (i32, i32, i32) {
    %c0_i32 = arith.constant 0 : i32
    %c0_i32_0 = arith.constant 0 : i32
    %c0_i32_1 = arith.constant 0 : i32
    return %arg0, %c0_i32, %c0_i32_0 : i32, i32, i32
  }
  func.func @transform_5(%arg0: i32, %arg1: i32, %arg2: memref<15xi32, #tpu.memory_space<smem>>, %arg3: memref<15xi32, #tpu.memory_space<smem>>, %arg4: memref<15xi32, #tpu.memory_space<smem>>) -> (i32, i32, i32) {
    %c0_i32 = arith.constant 0 : i32
    %c0_i32_0 = arith.constant 0 : i32
    %c0_i32_1 = arith.constant 0 : i32
    return %arg0, %c0_i32, %c0_i32_0 : i32, i32, i32
  }
  func.func @transform_6(%arg0: i32, %arg1: i32, %arg2: memref<15xi32, #tpu.memory_space<smem>>, %arg3: memref<15xi32, #tpu.memory_space<smem>>, %arg4: memref<15xi32, #tpu.memory_space<smem>>) -> (i32, i32) {
    %get3A = arith.index_cast %arg0 : i32 to index
    %get3A_0 = memref.load %arg2[%get3A] : memref<15xi32, #tpu.memory_space<smem>>
    %c0_i32 = arith.constant 0 : i32
    %c0_i32_1 = arith.constant 0 : i32
    return %get3A_0, %c0_i32 : i32, i32
  }
}

</mosaic_0001>

<sc_bundles>
// kernel: kernel.6.cloned.1.call-start
scs
__scs_entry_jumppad:
0x0: {  	(pc) =	sbr.rel $0x88, $3  }
0x1: {  	(tag) =	ssettag $0x0;
	lr =	simm.s32 $0x1  }
0x2: {  	[smem:$0x3F9A] =	sst lr;
	_ =	strace $0xD0000000  }
0x3: {  	_ = 	snop  }
0x4: {  	_ = 	snop  }
0x5: {  	_ = 	snop  }
0x6: {  	_ = 	snop  }
0x7: {  	_ = 	snop  }
__scs_overlays_trampoline_lowered:
0x8: {  	[smem:$0x3FA9] =	sst s0  }
0x9: {  	[smem:$0x3FAA] =	sst s1  }
0xa: {  	[smem:$0x3FAB] =	sst s2  }
0xb: {  	[smem:$0x3FAC] =	sst s3  }
0xc: {  	[smem:$0x3FAD] =	sst s4  }
0xd: {  	[smem:$0x3FAE] =	sst s5  }
0xe: {  	[smem:$0x3FAF] =	sst s6  }
0xf: {  	[smem:$0x3FB0] =	sst s7  }
0x10: {  	[smem:$0x3FB1] =	sst s8  }
0x11: {  	[smem:$0x3FB2] =	sst s9;
	s0 =	simm.s32 @!p0 $0x0  }
0x12: {  	s1 =	sld [smem:$0x3F98];
	s0 =	simm.s32 @p0 $0x1  }
0x13: {  	[smem:$0x3FB3] =	sst s0;
	s0 =	simm.s32 @!p1 $0x0  }
0x14: {  	s2 =	sld [smem:$0x3F97];
	s0 =	simm.s32 @p1 $0x1  }
0x15: {  	[smem:$0x3FB4] =	sst s0;
	s0 =	simm.s32 @!p2 $0x0  }
0x16: {  	s3 =	sld [smem:$0x3FDB];
	s0 =	simm.s32 @p2 $0x1  }
0x17: {  	s4 =	simm.s32 $0x1BF5;
	[smem:$0x3FB6] =	sst s0  }
0x18: {  	s0 =	sld [smem:$0x3F99];
	_ =	swait.ge [sflag:s4], $0x0  }
0x19: {  	s7 =	sld [smem:$0x3F9A]  }
0x1a: {  	s8 =	sadd.s32 $0xFFFFE003, lr  }
0x1b: {  	s9 =	sadd.s32 $0xFFFFFEF7, lr;
	s5 =	simm.s32 $0xFFFFFFFF;
	p2 =	slt.u32 s8, $0xFFFFF086  }
0x1c: {  	p1 =	slt.u32 s9, $0xF7A;
	s5 =	simm.s32 @!p2 $0x0  }
0x1d: {  	s5 =	simm.s32 @p1 $0x1;
	p0 =	seq.s32 s7, s2  }
0x1e: {  	s7 =	smul.u32 @!p0 $0xF7A, s2;
	p2 =	seq.s32 @!p0 s5, $0x0  }
0x1f: {  	s9 =	smul.u32 $0xF7A, s1;
	s8 =	simm.s32 @!p0 $0x1BF5;
	p2 =	por !p2, p0  }
0x20: {  	[sflag:s8] =	ssyncset.s32 @!p0 $0xFFFFF086;
	s6 =	sadd.s32 @!p0 s3, s7;
	s7 =	simm.s32 @!p0 $0x108  }
0x21: {  	s3 =	sadd.s32 s3, s9;
	s6 =	sadd.s32 @!p0 $0x88, s6;
	s7 =	simm.s32 @p2 $0x1082  }
0x22: {  	[simem:s7], [sflag:s8] =	dma.local @!p0 [hbm:s6], $0xF7A  }
0x23: {  	s9 =	sor.u32 $0xD0000000, s2;
	s6 =	simm.s32 $0x108;
	_ =	swait.ge @!p0 [sflag:s8], $0x0  }
0x24: {  	s3 =	sadd.s32 $0x88, s3;
	s6 =	simm.s32 @!p1 $0x1082;
	[sflag:s4] =	ssyncset.s32 $0xFFFFF086  }
0x25: {  	[simem:s6], [sflag:s4] =	dma.local [hbm:s3], $0xF7A  }
0x26: {  	[smem:$0x3F9A] =	sst s1;
	(tag) =	ssettag s2;
	_ =	strace s9  }
0x27: {  	s1 =	sld [smem:$0x3FAA]  }
0x28: {  	s2 =	sld [smem:$0x3FAB]  }
0x29: {  	s4 =	sld [smem:$0x3FAD]  }
0x2a: {  	p0 =	seq.s32 s5, $0x0;
	s5 =	sld [smem:$0x3FAE]  }
0x2b: {  	s6 =	sld [smem:$0x3FAF]  }
0x2c: {  	s7 =	sld [smem:$0x3FB0]  }
0x2d: {  	s3 =	simm.s32 $0x108;
	s8 =	sld [smem:$0x3FB1]  }
0x2e: {  	s3 =	simm.s32 @!p0 $0x1082;
	s9 =	sld [smem:$0x3FB2]  }
0x2f: {  	lr =	sadd.s32 s0, s3;
	s0 =	sld [smem:$0x3FA9]  }
0x30: {  	s3 =	sld [smem:$0x3FAC]  }
0x31: {  	[smem:$0x3FB5] =	sst s10  }
0x32: {  	s10 =	sld [smem:$0x3FB3];
	_ =	sdelay $0x3  }
0x33: {  	p0 =	seq.s32 s10, $0x1;
	s10 =	sld [smem:$0x3FB5];
	_ =	sdelay $0x3  }
0x34: {  	[smem:$0x3FB5] =	sst s10  }
0x35: {  	s10 =	sld [smem:$0x3FB4];
	_ =	sdelay $0x3  }
0x36: {  	p1 =	seq.s32 s10, $0x1;
	s10 =	sld [smem:$0x3FB5];
	_ =	sdelay $0x3  }
0x37: {  	[smem:$0x3FB5] =	sst s10  }
0x38: {  	s10 =	sld [smem:$0x3FB6]  }
0x39: {  	_ = 	snop;
	(pc) =	sbr.ind lr, $3  }
0x3a: {  	_ = 	snop  }
0x3b: {  	_ = 	snop  }
0x3c: {  	p2 =	seq.s32 s10, $0x1;
	s10 =	sld [smem:$0x3FB5]  }
0x3d: {  	_ =	shalt  }
0x3e: {  	_ =	shalt  }
0x3f: {  	_ =	shalt  }
0x40: {  	_ =	shalt  }
0x41: {  	_ =	shalt  }
0x42: {  	_ =	shalt  }
0x43: {  	_ =	shalt  }
0x44: {  	_ =	shalt  }
0x45: {  	_ =	shalt  }
0x46: {  	_ =	shalt  }
0x47: {  	_ =	shalt  }
0x48: {  	_ =	shalt  }
0x49: {  	_ =	shalt  }
0x4a: {  	_ =	shalt  }
0x4b: {  	_ =	shalt  }
0x4c: {  	_ =	shalt  }
0x4d: {  	_ =	shalt  }
0x4e: {  	_ =	shalt  }
0x4f: {  	_ =	shalt  }
0x50: {  	_ =	shalt  }
0x51: {  	_ =	shalt  }
0x52: {  	_ =	shalt  }
0x53: {  	_ =	shalt  }
0x54: {  	_ =	shalt  }
0x55: {  	_ =	shalt  }
0x56: {  	_ =	shalt  }
0x57: {  	_ =	shalt  }
0x58: {  	_ =	shalt  }
0x59: {  	_ =	shalt  }
0x5a: {  	_ =	shalt  }
0x5b: {  	_ =	shalt  }
0x5c: {  	_ =	shalt  }
0x5d: {  	_ =	shalt  }
0x5e: {  	_ =	shalt  }
0x5f: {  	_ =	shalt  }
0x60: {  	_ =	shalt  }
0x61: {  	_ =	shalt  }
0x62: {  	_ =	shalt  }
0x63: {  	_ =	shalt  }
0x64: {  	_ =	shalt  }
0x65: {  	_ =	shalt  }
0x66: {  	_ =	shalt  }
0x67: {  	_ =	shalt  }
0x68: {  	_ =	shalt  }
0x69: {  	_ =	shalt  }
0x6a: {  	_ =	shalt  }
0x6b: {  	_ =	shalt  }
0x6c: {  	_ =	shalt  }
0x6d: {  	_ =	shalt  }
0x6e: {  	_ =	shalt  }
0x6f: {  	_ =	shalt  }
0x70: {  	_ =	shalt  }
0x71: {  	_ =	shalt  }
0x72: {  	_ =	shalt  }
0x73: {  	_ =	shalt  }
0x74: {  	_ =	shalt  }
0x75: {  	_ =	shalt  }
0x76: {  	_ =	shalt  }
0x77: {  	_ =	shalt  }
0x78: {  	_ =	shalt  }
0x79: {  	_ =	shalt  }
0x7a: {  	_ =	shalt  }
0x7b: {  	_ =	shalt  }
0x7c: {  	_ =	shalt  }
0x7d: {  	_ =	shalt  }
0x7e: {  	_ =	shalt  }
0x7f: {  	_ =	shalt  }
0x80: {  	_ =	shalt  }
0x81: {  	_ =	shalt  }
0x82: {  	_ =	shalt  }
0x83: {  	_ =	shalt  }
0x84: {  	_ =	shalt  }
0x85: {  	_ =	shalt  }
0x86: {  	_ =	shalt  }
0x87: {  	_ =	shalt  }
.Lfunc_end0:
.L_simem_size_0:
called_computation_lowered:
.L_overlay_start_0:
0x88: {  	s2 =	sld [smem:$0x3FD9]  }
0x89: {  	s3 =	sld [smem:$0x3FFE];
	_ =	sdelay $0x1  }
0x8a: {  	s1 =	srdreg.scid  }
0x8b: {  	s0 =	sand.u32 $0x1, s1  }
0x8c: {  	s14 =	sshll.u32 s0, $0xA;
	s2 =	sadd.s32 s3, s2  }
0x8d: {  	s2 =	sadd.s32 s2, s14  }
0x8e: {  	[smem:$0x3FC1] =	sst s2  }
0x8f: {  	_ = 	snop  }
0x90: {  	s2 =	sld [smem:$0x3FD0];
	_ =	sdelay $0x2  }
0x91: {  	s4 =	simm.s32 $0xA;
	s5 =	simm.s32 $0x10;
	s15 =	sld [smem:$0x3FC9]  }
0x92: {  	[smem:s5], [sflag:s4] =	dma.local [hbm:s2], $0x1  }
0x93: {  	_ =	swait.eq [sflag:s4], $0x1  }
0x94: {  	[sflag:s4] =	ssyncset.done $0x0  }
0x95: {  	[sflag:s4] =	ssyncadd.s32 $0xFFFFFFFF  }
0x96: {  	s16 =	sld [smem:$0x10];
	(tm) =	ssettm $0x1  }
0x97: {  	s17 =	sld [smem:$0x3FFB];
	_ =	sdelay $0x3  }
0x98: {  	_ =	strace s17  }
0x99: {  	s4 =	sld [smem:$0x3FFC];
	_ =	sdelay $0x3  }
0x9a: {  	_ =	strace s4  }
0x9b: {  	s4 =	sld [smem:$0x3FFD];
	_ =	sdelay $0x3  }
0x9c: {  	_ =	strace s4  }
0x9d: {  	_ =	strace $0x8FFFFFFF  }
0x9e: {  	s18 =	sld [smem:$0x3FDB];
	_ =	sdelay $0x1  }
0x9f: {  	s19 =	simm.s32 $_scs_section_size  }
0xa0: {  	s6 =	simm.s32 $_size__tile_overlayer_lowered;
	s7 =	simm.s32 $_tile_overlayer_lowered  }
0xa1: {  	s22 =	simm.s32 $0x1BFF;
	s21 =	sshll.u32 s7, $0x1;
	s4 =	sadd.s32 s19, s18  }
0xa2: {  	s8 =	simm.s32 $0x0;
	s20 =	sshll.u32 s6, $0x1;
	s6 =	sadd.s32 s21, s4  }
0xa3: {  	[timem:s8], [sflag:s22] =	dma.local [hbm:s6], s20  }
0xa4: {  	_ =	swait.ge [sflag:s22], s20  }
0xa5: {  	s5 =	ssub.s32 $0x0, s20;
	[sflag:s22] =	ssyncset.done $0x0  }
0xa6: {  	[sflag:s22] =	ssyncadd.s32 s5;
	_ =	sdelay $0x1  }
0xa7: {  	s23 =	simm.s32 $0x1B8B  }
0xa8: {  	_ =	swait.ge [sflag:s23], $0x1  }
0xa9: {  	[sflag:s23] =	ssyncset.done $0x0  }
0xaa: {  	s25 =	simm.s32 $0x1B8E;
	s24 =	sld [smem:$0x3FFE];
	[sflag:s23] =	ssyncadd.s32 $0xFFFFFFFF  }
0xab: {  	s26 =	simm.s32 $execute0_lowered;
	[smem:$0x3FD2] =	sst s25  }
0xac: {  	s6 =	sshll.u32 s26, $0x1;
	_ =	strace $0x80000046;
	[dreg:$0x1] =	wrdreg $0xFFFFFFFF  }
0xad: {  	s28 =	simm.s32 $_size_execute0_lowered;
	s4 =	sadd.s32 s4, s6;
	[dreg:$0x0] =	wrdreg $0x0  }
0xae: {  	s6 =	sshll.u32 s28, $0x1;
	[dreg:$0x2] =	wrdreg s4  }
0xaf: {  	[dreg:$0x3] =	wrdreg s6  }
0xb0: {  	[dreg:$0x4] =	wrdreg $0xC0  }
0xb1: {  	_ =	task [dreg:s8], $0x5FFFF  }
0xb2: {  	[dreg:$0x1] =	wrdreg $0xFFFFFFFF  }
0xb3: {  	[dreg:$0x0] =	wrdreg $0x60  }
0xb4: {  	[dreg:$0x2] =	wrdreg s15  }
0xb5: {  	[dreg:$0x3] =	wrdreg s24  }
0xb6: {  	[dreg:$0x4] =	wrdreg s16  }
0xb7: {  	[dreg:$0x5] =	wrdreg $0x9  }
0xb8: {  	_ =	task.clear_ibuf [dreg:s8], $0x6FFFF;
	_ =	strace $0x90000046  }
0xb9: {  	s29 =	simm.s32 $0x9;
	_ =	strace $0x80000048  }
0xba: {  	_ =	swait.ge [sflag:s29], $0x1  }
0xbb: {  	[sflag:s29] =	ssyncadd.s32 $0xFFFFFFFF  }
0xbc: {  	_ =	strace $0x90000048  }
0xbd: {  	_ =	sfence  }
0xbe: {  	s30 =	sld [smem:$0x0];
	_ =	sdelay $0x2  }
0xbf: {  	s31 =	sshll.u32 s1, $0xD;
	s1 =	sshrl.u32 s1, $0x2  }
0xc0: {  	s3 =	sand.u32 $0x4000, s31;
	s1 =	sadd.s32 s1, s30  }
0xc1: {  	s0 =	sor.u32 s3, s0;
	s1 =	sshll.u32 s1, $0x11  }
0xc2: {  	s0 =	sor.u32 s1, s0  }
0xc3: {  	s0 =	sadd.s32 $0x8F2B, s0  }
0xc4: {  	[sflag:s0] =	ssyncadd.remote.s32 $0x1  }
0xc5: {  	_ =	sfence.sel $0xFFFF  }
0xc6: {  	[dreg:$0x0] =	wrdreg $0xFFFFFFFF;
	(pc) =	sbr.abs _section_cstart, $3  }
0xc7: {  	[dreg:$0x1] =	wrdreg $0xFFFFFFFF  }
0xc8: {  	_ =	task.clear_ibuf [dreg:s8], $0x2FFFF;
	_ =	strace $0x9FFFFFFF  }
0xc9: {  	(tm) =	ssettm $0x7FFFFFFF  }
tec
execute0_lowered:
.L_overlay_start_1:
0x0: {  	(tag) =	ssettag $0x1  }
0x1: {  	s0 =	rddreg [dreg:$0x0]  }
0x2: {  	s1 =	rddreg [dreg:$0x1]  }
0x3: {  	s2 =	rddreg [dreg:$0x2];
	s4 =	srdreg.scid  }
0x4: {  	s3 =	simm.s32 $0x0;
	s5 =	stileid.u32;
	s18 =	simm.s32 $0x1  }
0x5: {  	s28 =	simm.s32 $0x4080;
	s29 =	simm.s32 $0x4880;
	s30 =	simm.s32 $0x5080  }
0x6: {  	s31 =	simm.s32 $0x5880;
	s10 =	simm.s32 $0x7080;
	s11 =	simm.s32 $0x7880  }
0x7: {  	s12 =	simm.s32 $0x8080;
	s13 =	simm.s32 $0x8880;
	s14 =	simm.s32 $0x9080  }
0x8: {  	s15 =	simm.s32 $0x9880;
	s16 =	simm.s32 $0xA080;
	s17 =	simm.s32 $0xA880  }
0x9: {  	s9 =	simm.s32 $0xB080;
	s4 =	sand.u32 $0x1, s4;
	[smem:$0x7FF] =	sst s3  }
0xa: {  	s5 =	sshll.u32 s5, $0x8;
	s1 =	sadd.s32 $0x10200, s1;
	s6 =	sshll.u32 s4, $0x7  }
0xb: {  	_ =	strace $0x80000047;
	s4 =	ssub.s32 $0x2, s4;
	s5 =	sor.u32 s6, s5  }
0xc: {  	s20 =	sshrl.u32 s4, $0x1;
	s6 =	sadd.s32 $0x300, s2;
	s7 =	sshrl.u32 s5, $0x3  }
0xd: {  	s8 =	ssub.s32 s4, s20;
	s22 =	sshll.u32 s5, $0x7;
	s24 =	sor.u32 $0x40, s5  }
0xe: {  	s4 =	sadd.s32 $0x100, s2;
	s5 =	sadd.s32 $0x200, s2;
	s20 =	simm.s32 $0x880  }
0xf: {  	s21 =	sadd.s32 s1, s7;
	s23 =	sadd.s32 s0, s22;
	s25 =	sshrl.u32 s24, $0x3  }
0x10: {  	s26 =	sshll.u32 s24, $0x7;
	s7 =	smax.u32 s8, $0x1;
	s8 =	simm.s32 $0x2  }
0x11: {  	s22 =	simm.s32 $0x1880;
	s24 =	simm.s32 $0x2880;
	[dreg:$0x4] =	wrdreg s21  }
0x12: {  	v2 =	vlaneseq.u32;
	[dreg:$0x5] =	wrdreg s23;
	s1 =	sadd.s32 s1, s25;
	s0 =	sadd.s32 s0, s26  }
0x13: {  	vm0 =	vmmov $0xffff;
	v1 =	vshrl.u32 v2, $0x3;
	s21 =	simm.s32 $0x1080;
	s23 =	simm.s32 $0x2080;
	[dreg:$0x6] =	wrdreg s1  }
0x14: {  	v0 =	vand.u32 $0x7, v2;
	v2 =	vor.u32 $0x8, v2;
	v1 =	vmul.u32 $0x8, v1;
	s25 =	simm.s32 $0x3080;
	s26 =	simm.s32 $0x3880;
	[dreg:$0x7] =	wrdreg s0  }
.LBB2_1:
0x15: {  	s19 =	rddreg [dreg:$0x4]  }
0x16: {  	[tilespmem:s3], [sflag:$0x2] =	stream.linear.gather [hbm4b:s19+s3], $0x40, $0x38;
	[tilespmem:$0x10080] =	vst v63  }
0x17: {  	_ =	swait.ge [sflag:s8], $0x40  }
0x18: {  	[sflag:s8] =	ssyncset.done $0x0  }
0x19: {  	s0 =	simm.s32 $0x80;
	s1 =	rddreg [dreg:$0x5];
	[sflag:s8] =	ssyncadd.s32 $0xFFFFFFC0  }
0x1a: {  	[tilespmem:s0], [sflag:$0x2] =	stream.linear.gather [hbm4b:s1+s3], $0x10000, $0x38;
	[tilespmem:$0x10080] =	vst v63  }
0x1b: {  	_ =	swait.ge [sflag:s8], $0x10000  }
0x1c: {  	[sflag:s8] =	ssyncset.done $0x0  }
0x1d: {  	[sflag:s8] =	ssyncadd.s32 $0xFFFF0000  }
0x1e: {  	v3 =	vld [tilespmem:$0x0];
	_ =	sdelay $0x4  }
0x1f: {  	v4 =	vshll.u32 v3, $0x3  }
0x20: {  	v3 =	vand.u32 $0x7, v3;
	v4 =	vand.u32 $0xFFFFFFC0, v4  }
0x21: {  	v3 =	vor.u32 v3, v4  }
0x22: {  	v4 =	vperm.xlane v3, v0;
	_ =	sdelay $0x1  }
0x23: {  	v4 =	vadd.s32 v1, v4;
	_ =	sdelay $0x4  }
0x24: {  	[hbm4b:s2+s3] =	stream.indirect_vreg.scatter [tilespmem:s0], [sflag:$0x1], $0x80, v4, vm0, $0xb8;
	[tilespmem:$0x10080] =	vst v63  }
0x25: {  	v3 =	vperm.xlane v3, v2  }
0x26: {  	[hbm4b:s4+s3] =	stream.indirect_vreg.scatter [tilespmem:s20], [sflag:$0x1], $0x80, v4, vm0, $0xb8;
	[tilespmem:$0x10080] =	vst v63  }
0x27: {  	v3 =	vadd.s32 v1, v3  }
0x28: {  	[hbm4b:s5+s3] =	stream.indirect_vreg.scatter [tilespmem:s21], [sflag:$0x1], $0x80, v4, vm0, $0xb8;
	[tilespmem:$0x10080] =	vst v63  }
0x29: {  	_ = 	snop  }
0x2a: {  	[hbm4b:s6+s3] =	stream.indirect_vreg.scatter [tilespmem:s22], [sflag:$0x1], $0x80, v4, vm0, $0xb8;
	[tilespmem:$0x10080] =	vst v63  }
0x2b: {  	_ = 	snop  }
0x2c: {  	[hbm4b:s2+s3] =	stream.indirect_vreg.scatter [tilespmem:s23], [sflag:$0x1], $0x80, v3, vm0, $0xb8;
	[tilespmem:$0x10080] =	vst v63  }
0x2d: {  	_ = 	snop  }
0x2e: {  	[hbm4b:s4+s3] =	stream.indirect_vreg.scatter [tilespmem:s24], [sflag:$0x1], $0x80, v3, vm0, $0xb8;
	[tilespmem:$0x10080] =	vst v63  }
0x2f: {  	_ = 	snop  }
0x30: {  	[hbm4b:s5+s3] =	stream.indirect_vreg.scatter [tilespmem:s25], [sflag:$0x1], $0x80, v3, vm0, $0xb8;
	[tilespmem:$0x10080] =	vst v63  }
0x31: {  	_ = 	snop  }
0x32: {  	[hbm4b:s6+s3] =	stream.indirect_vreg.scatter [tilespmem:s26], [sflag:$0x1], $0x80, v3, vm0, $0xb8;
	[tilespmem:$0x10080] =	vst v63  }
0x33: {  	v3 =	vld [tilespmem:$0x10];
	_ =	sdelay $0x4  }
0x34: {  	v57 =	vshll.u32 v3, $0x3  }
0x35: {  	v3 =	vand.u32 $0x7, v3;
	v4 =	vand.u32 $0xFFFFFFC0, v57  }
0x36: {  	v3 =	vor.u32 v3, v4  }
0x37: {  	v4 =	vperm.xlane v3, v0;
	_ =	sdelay $0x1  }
0x38: {  	v4 =	vadd.s32 v1, v4;
	_ =	sdelay $0x4  }
0x39: {  	[hbm4b:s2+s3] =	stream.indirect_vreg.scatter [tilespmem:s28], [sflag:$0x1], $0x80, v4, vm0, $0xb8;
	[tilespmem:$0x10080] =	vst v63  }
0x3a: {  	v3 =	vperm.xlane v3, v2  }
0x3b: {  	[hbm4b:s4+s3] =	stream.indirect_vreg.scatter [tilespmem:s29], [sflag:$0x1], $0x80, v4, vm0, $0xb8;
	[tilespmem:$0x10080] =	vst v63  }
0x3c: {  	v3 =	vadd.s32 v1, v3  }
0x3d: {  	[hbm4b:s5+s3] =	stream.indirect_vreg.scatter [tilespmem:s30], [sflag:$0x1], $0x80, v4, vm0, $0xb8;
	[tilespmem:$0x10080] =	vst v63  }
0x3e: {  	_ = 	snop  }
0x3f: {  	[hbm4b:s6+s3] =	stream.indirect_vreg.scatter [tilespmem:s31], [sflag:$0x1], $0x80, v4, vm0, $0xb8;
	[tilespmem:$0x10080] =	vst v63  }
0x40: {  	s1 =	simm.s32 $0x6080  }
0x41: {  	[hbm4b:s2+s3] =	stream.indirect_vreg.scatter [tilespmem:s1], [sflag:$0x1], $0x80, v3, vm0, $0xb8;
	[tilespmem:$0x10080] =	vst v63  }
0x42: {  	s1 =	simm.s32 $0x6880  }
0x43: {  	[hbm4b:s4+s3] =	stream.indirect_vreg.scatter [tilespmem:s1], [sflag:$0x1], $0x80, v3, vm0, $0xb8;
	[tilespmem:$0x10080] =	vst v63  }
0x44: {  	_ = 	snop  }
0x45: {  	[hbm4b:s5+s3] =	stream.indirect_vreg.scatter [tilespmem:s10], [sflag:$0x1], $0x80, v3, vm0, $0xb8;
	[tilespmem:$0x10080] =	vst v63  }
0x46: {  	_ = 	snop  }
0x47: {  	[hbm4b:s6+s3] =	stream.indirect_vreg.scatter [tilespmem:s11], [sflag:$0x1], $0x80, v3, vm0, $0xb8;
	[tilespmem:$0x10080] =	vst v63  }
0x48: {  	v3 =	vld [tilespmem:$0x20];
	_ =	sdelay $0x4  }
0x49: {  	v58 =	vshll.u32 v3, $0x3  }
0x4a: {  	v3 =	vand.u32 $0x7, v3;
	v4 =	vand.u32 $0xFFFFFFC0, v58  }
0x4b: {  	v3 =	vor.u32 v3, v4  }
0x4c: {  	v4 =	vperm.xlane v3, v0;
	_ =	sdelay $0x1  }
0x4d: {  	v4 =	vadd.s32 v1, v4;
	_ =	sdelay $0x4  }
0x4e: {  	[hbm4b:s2+s3] =	stream.indirect_vreg.scatter [tilespmem:s12], [sflag:$0x1], $0x80, v4, vm0, $0xb8;
	[tilespmem:$0x10080] =	vst v63  }
0x4f: {  	v3 =	vperm.xlane v3, v2  }
0x50: {  	[hbm4b:s4+s3] =	stream.indirect_vreg.scatter [tilespmem:s13], [sflag:$0x1], $0x80, v4, vm0, $0xb8;
	[tilespmem:$0x10080] =	vst v63  }
0x51: {  	v3 =	vadd.s32 v1, v3  }
0x52: {  	[hbm4b:s5+s3] =	stream.indirect_vreg.scatter [tilespmem:s14], [sflag:$0x1], $0x80, v4, vm0, $0xb8;
	[tilespmem:$0x10080] =	vst v63  }
0x53: {  	_ = 	snop  }
0x54: {  	[hbm4b:s6+s3] =	stream.indirect_vreg.scatter [tilespmem:s15], [sflag:$0x1], $0x80, v4, vm0, $0xb8;
	[tilespmem:$0x10080] =	vst v63  }
0x55: {  	_ = 	snop  }
0x56: {  	[hbm4b:s2+s3] =	stream.indirect_vreg.scatter [tilespmem:s16], [sflag:$0x1], $0x80, v3, vm0, $0xb8;
	[tilespmem:$0x10080] =	vst v63  }
0x57: {  	_ = 	snop  }
0x58: {  	[hbm4b:s4+s3] =	stream.indirect_vreg.scatter [tilespmem:s17], [sflag:$0x1], $0x80, v3, vm0, $0xb8;
	[tilespmem:$0x10080] =	vst v63  }
0x59: {  	_ = 	snop  }
0x5a: {  	[hbm4b:s5+s3] =	stream.indirect_vreg.scatter [tilespmem:s9], [sflag:$0x1], $0x80, v3, vm0, $0xb8;
	[tilespmem:$0x10080] =	vst v63  }
0x5b: {  	s19 =	simm.s32 $0xB880  }
0x5c: {  	[hbm4b:s6+s3] =	stream.indirect_vreg.scatter [tilespmem:s19], [sflag:$0x1], $0x80, v3, vm0, $0xb8;
	[tilespmem:$0x10080] =	vst v63  }
0x5d: {  	v3 =	vld [tilespmem:$0x30];
	_ =	sdelay $0x4  }
0x5e: {  	v59 =	vshll.u32 v3, $0x3  }
0x5f: {  	v3 =	vand.u32 $0x7, v3;
	v4 =	vand.u32 $0xFFFFFFC0, v59  }
0x60: {  	v3 =	vor.u32 v3, v4  }
0x61: {  	v4 =	vperm.xlane v3, v0;
	_ =	sdelay $0x1  }
0x62: {  	v4 =	vadd.s32 v1, v4;
	_ =	sdelay $0x3  }
0x63: {  	s19 =	simm.s32 $0xC080  }
0x64: {  	[hbm4b:s2+s3] =	stream.indirect_vreg.scatter [tilespmem:s19], [sflag:$0x1], $0x80, v4, vm0, $0xb8;
	[tilespmem:$0x10080] =	vst v63  }
0x65: {  	v3 =	vperm.xlane v3, v2;
	s19 =	simm.s32 $0xC880  }
0x66: {  	[hbm4b:s4+s3] =	stream.indirect_vreg.scatter [tilespmem:s19], [sflag:$0x1], $0x80, v4, vm0, $0xb8;
	[tilespmem:$0x10080] =	vst v63  }
0x67: {  	v3 =	vadd.s32 v1, v3;
	s19 =	simm.s32 $0xD080  }
0x68: {  	[hbm4b:s5+s3] =	stream.indirect_vreg.scatter [tilespmem:s19], [sflag:$0x1], $0x80, v4, vm0, $0xb8;
	[tilespmem:$0x10080] =	vst v63  }
0x69: {  	s19 =	simm.s32 $0xD880  }
0x6a: {  	[hbm4b:s6+s3] =	stream.indirect_vreg.scatter [tilespmem:s19], [sflag:$0x1], $0x80, v4, vm0, $0xb8;
	[tilespmem:$0x10080] =	vst v63  }
0x6b: {  	s19 =	simm.s32 $0xE080  }
0x6c: {  	[hbm4b:s2+s3] =	stream.indirect_vreg.scatter [tilespmem:s19], [sflag:$0x1], $0x80, v3, vm0, $0xb8;
	[tilespmem:$0x10080] =	vst v63  }
0x6d: {  	s19 =	simm.s32 $0xE880  }
0x6e: {  	[hbm4b:s4+s3] =	stream.indirect_vreg.scatter [tilespmem:s19], [sflag:$0x1], $0x80, v3, vm0, $0xb8;
	[tilespmem:$0x10080] =	vst v63  }
0x6f: {  	s19 =	simm.s32 $0xF080  }
0x70: {  	[hbm4b:s5+s3] =	stream.indirect_vreg.scatter [tilespmem:s19], [sflag:$0x1], $0x80, v3, vm0, $0xb8;
	[tilespmem:$0x10080] =	vst v63  }
0x71: {  	s19 =	simm.s32 $0xF880  }
0x72: {  	[hbm4b:s6+s3] =	stream.indirect_vreg.scatter [tilespmem:s19], [sflag:$0x1], $0x80, v3, vm0, $0xb8;
	[tilespmem:$0x10080] =	vst v63  }
0x73: {  	_ =	swait.ge [sflag:s18], $0x10000  }
0x74: {  	[sflag:s18] =	ssyncset.done $0x0  }
0x75: {  	s19 =	rddreg [dreg:$0x6];
	[sflag:s18] =	ssyncadd.s32 $0xFFFF0000  }
0x76: {  	[tilespmem:s3], [sflag:$0x2] =	stream.linear.gather [hbm4b:s19+s3], $0x40, $0x38;
	[tilespmem:$0x10080] =	vst v63  }
0x77: {  	_ =	swait.ge [sflag:s8], $0x40  }
0x78: {  	[sflag:s8] =	ssyncset.done $0x0  }
0x79: {  	s19 =	rddreg [dreg:$0x7];
	[sflag:s8] =	ssyncadd.s32 $0xFFFFFFC0  }
0x7a: {  	[tilespmem:s0], [sflag:$0x2] =	stream.linear.gather [hbm4b:s19+s3], $0x10000, $0x38;
	[tilespmem:$0x10080] =	vst v63  }
0x7b: {  	_ =	swait.ge [sflag:s8], $0x10000  }
0x7c: {  	[sflag:s8] =	ssyncset.done $0x0  }
0x7d: {  	[sflag:s8] =	ssyncadd.s32 $0xFFFF0000  }
0x7e: {  	v3 =	vld [tilespmem:$0x0];
	_ =	sdelay $0x4  }
0x7f: {  	v60 =	vshll.u32 v3, $0x3  }
0x80: {  	v3 =	vand.u32 $0x7, v3;
	v4 =	vand.u32 $0xFFFFFFC0, v60  }
0x81: {  	v3 =	vor.u32 v3, v4  }
0x82: {  	v4 =	vperm.xlane v3, v0;
	_ =	sdelay $0x1  }
0x83: {  	v4 =	vadd.s32 v1, v4;
	_ =	sdelay $0x4  }
0x84: {  	[hbm4b:s2+s3] =	stream.indirect_vreg.scatter [tilespmem:s0], [sflag:$0x1], $0x80, v4, vm0, $0xb8;
	[tilespmem:$0x10080] =	vst v63  }
0x85: {  	v3 =	vperm.xlane v3, v2  }
0x86: {  	[hbm4b:s4+s3] =	stream.indirect_vreg.scatter [tilespmem:s20], [sflag:$0x1], $0x80, v4, vm0, $0xb8;
	[tilespmem:$0x10080] =	vst v63  }
0x87: {  	v3 =	vadd.s32 v1, v3  }
0x88: {  	[hbm4b:s5+s3] =	stream.indirect_vreg.scatter [tilespmem:s21], [sflag:$0x1], $0x80, v4, vm0, $0xb8;
	[tilespmem:$0x10080] =	vst v63  }
0x89: {  	_ = 	snop  }
0x8a: {  	[hbm4b:s6+s3] =	stream.indirect_vreg.scatter [tilespmem:s22], [sflag:$0x1], $0x80, v4, vm0, $0xb8;
	[tilespmem:$0x10080] =	vst v63  }
0x8b: {  	_ = 	snop  }
0x8c: {  	[hbm4b:s2+s3] =	stream.indirect_vreg.scatter [tilespmem:s23], [sflag:$0x1], $0x80, v3, vm0, $0xb8;
	[tilespmem:$0x10080] =	vst v63  }
0x8d: {  	_ = 	snop  }
0x8e: {  	[hbm4b:s4+s3] =	stream.indirect_vreg.scatter [tilespmem:s24], [sflag:$0x1], $0x80, v3, vm0, $0xb8;
	[tilespmem:$0x10080] =	vst v63  }
0x8f: {  	_ = 	snop  }
0x90: {  	[hbm4b:s5+s3] =	stream.indirect_vreg.scatter [tilespmem:s25], [sflag:$0x1], $0x80, v3, vm0, $0xb8;
	[tilespmem:$0x10080] =	vst v63  }
0x91: {  	_ = 	snop  }
0x92: {  	[hbm4b:s6+s3] =	stream.indirect_vreg.scatter [tilespmem:s26], [sflag:$0x1], $0x80, v3, vm0, $0xb8;
	[tilespmem:$0x10080] =	vst v63  }
0x93: {  	v3 =	vld [tilespmem:$0x10];
	_ =	sdelay $0x4  }
0x94: {  	v61 =	vshll.u32 v3, $0x3  }
0x95: {  	v3 =	vand.u32 $0x7, v3;
	v4 =	vand.u32 $0xFFFFFFC0, v61  }
0x96: {  	v3 =	vor.u32 v3, v4  }
0x97: {  	v4 =	vperm.xlane v3, v0;
	_ =	sdelay $0x1  }
0x98: {  	v4 =	vadd.s32 v1, v4;
	_ =	sdelay $0x4  }
0x99: {  	[hbm4b:s2+s3] =	stream.indirect_vreg.scatter [tilespmem:s28], [sflag:$0x1], $0x80, v4, vm0, $0xb8;
	[tilespmem:$0x10080] =	vst v63  }
0x9a: {  	v3 =	vperm.xlane v3, v2  }
0x9b: {  	[hbm4b:s4+s3] =	stream.indirect_vreg.scatter [tilespmem:s29], [sflag:$0x1], $0x80, v4, vm0, $0xb8;
	[tilespmem:$0x10080] =	vst v63  }
0x9c: {  	v3 =	vadd.s32 v1, v3  }
0x9d: {  	[hbm4b:s5+s3] =	stream.indirect_vreg.scatter [tilespmem:s30], [sflag:$0x1], $0x80, v4, vm0, $0xb8;
	[tilespmem:$0x10080] =	vst v63  }
0x9e: {  	_ = 	snop  }
0x9f: {  	[hbm4b:s6+s3] =	stream.indirect_vreg.scatter [tilespmem:s31], [sflag:$0x1], $0x80, v4, vm0, $0xb8;
	[tilespmem:$0x10080] =	vst v63  }
0xa0: {  	s19 =	simm.s32 $0x6080  }
0xa1: {  	[hbm4b:s2+s3] =	stream.indirect_vreg.scatter [tilespmem:s19], [sflag:$0x1], $0x80, v3, vm0, $0xb8;
	[tilespmem:$0x10080] =	vst v63  }
0xa2: {  	_ = 	snop  }
0xa3: {  	[hbm4b:s4+s3] =	stream.indirect_vreg.scatter [tilespmem:s1], [sflag:$0x1], $0x80, v3, vm0, $0xb8;
	[tilespmem:$0x10080] =	vst v63  }
0xa4: {  	_ = 	snop  }
0xa5: {  	[hbm4b:s5+s3] =	stream.indirect_vreg.scatter [tilespmem:s10], [sflag:$0x1], $0x80, v3, vm0, $0xb8;
	[tilespmem:$0x10080] =	vst v63  }
0xa6: {  	_ = 	snop  }
0xa7: {  	[hbm4b:s6+s3] =	stream.indirect_vreg.scatter [tilespmem:s11], [sflag:$0x1], $0x80, v3, vm0, $0xb8;
	[tilespmem:$0x10080] =	vst v63  }
0xa8: {  	v3 =	vld [tilespmem:$0x20];
	_ =	sdelay $0x4  }
0xa9: {  	v62 =	vshll.u32 v3, $0x3  }
0xaa: {  	v3 =	vand.u32 $0x7, v3;
	v4 =	vand.u32 $0xFFFFFFC0, v62  }
0xab: {  	v3 =	vor.u32 v3, v4  }
0xac: {  	v4 =	vperm.xlane v3, v0;
	_ =	sdelay $0x1  }
0xad: {  	v4 =	vadd.s32 v1, v4;
	_ =	sdelay $0x4  }
0xae: {  	[hbm4b:s2+s3] =	stream.indirect_vreg.scatter [tilespmem:s12], [sflag:$0x1], $0x80, v4, vm0, $0xb8;
	[tilespmem:$0x10080] =	vst v63  }
0xaf: {  	v3 =	vperm.xlane v3, v2  }
0xb0: {  	[hbm4b:s4+s3] =	stream.indirect_vreg.scatter [tilespmem:s13], [sflag:$0x1], $0x80, v4, vm0, $0xb8;
	[tilespmem:$0x10080] =	vst v63  }
0xb1: {  	v3 =	vadd.s32 v1, v3  }
0xb2: {  	[hbm4b:s5+s3] =	stream.indirect_vreg.scatter [tilespmem:s14], [sflag:$0x1], $0x80, v4, vm0, $0xb8;
	[tilespmem:$0x10080] =	vst v63  }
0xb3: {  	_ = 	snop  }
0xb4: {  	[hbm4b:s6+s3] =	stream.indirect_vreg.scatter [tilespmem:s15], [sflag:$0x1], $0x80, v4, vm0, $0xb8;
	[tilespmem:$0x10080] =	vst v63  }
0xb5: {  	_ = 	snop  }
0xb6: {  	[hbm4b:s2+s3] =	stream.indirect_vreg.scatter [tilespmem:s16], [sflag:$0x1], $0x80, v3, vm0, $0xb8;
	[tilespmem:$0x10080] =	vst v63  }
0xb7: {  	_ = 	snop  }
0xb8: {  	[hbm4b:s4+s3] =	stream.indirect_vreg.scatter [tilespmem:s17], [sflag:$0x1], $0x80, v3, vm0, $0xb8;
	[tilespmem:$0x10080] =	vst v63  }
0xb9: {  	_ = 	snop  }
0xba: {  	[hbm4b:s5+s3] =	stream.indirect_vreg.scatter [tilespmem:s9], [sflag:$0x1], $0x80, v3, vm0, $0xb8;
	[tilespmem:$0x10080] =	vst v63  }
0xbb: {  	s19 =	simm.s32 $0xB880  }
0xbc: {  	[hbm4b:s6+s3] =	stream.indirect_vreg.scatter [tilespmem:s19], [sflag:$0x1], $0x80, v3, vm0, $0xb8;
	[tilespmem:$0x10080] =	vst v63  }
0xbd: {  	v3 =	vld [tilespmem:$0x30];
	_ =	sdelay $0x4  }
0xbe: {  	v63 =	vshll.u32 v3, $0x3  }
0xbf: {  	v3 =	vand.u32 $0x7, v3;
	v4 =	vand.u32 $0xFFFFFFC0, v63  }
0xc0: {  	v3 =	vor.u32 v3, v4  }
0xc1: {  	v4 =	vperm.xlane v3, v0;
	_ =	sdelay $0x1  }
0xc2: {  	v4 =	vadd.s32 v1, v4;
	_ =	sdelay $0x3  }
0xc3: {  	s1 =	simm.s32 $0xC080  }
0xc4: {  	[hbm4b:s2+s3] =	stream.indirect_vreg.scatter [tilespmem:s1], [sflag:$0x1], $0x80, v4, vm0, $0xb8;
	[tilespmem:$0x10080] =	vst v63  }
0xc5: {  	s19 =	simm.s32 $0xC880;
	v3 =	vperm.xlane v3, v2  }
0xc6: {  	[hbm4b:s4+s3] =	stream.indirect_vreg.scatter [tilespmem:s19], [sflag:$0x1], $0x80, v4, vm0, $0xb8;
	[tilespmem:$0x10080] =	vst v63  }
0xc7: {  	v3 =	vadd.s32 v1, v3;
	s1 =	simm.s32 $0xD080  }
0xc8: {  	[hbm4b:s5+s3] =	stream.indirect_vreg.scatter [tilespmem:s1], [sflag:$0x1], $0x80, v4, vm0, $0xb8;
	[tilespmem:$0x10080] =	vst v63  }
0xc9: {  	s19 =	simm.s32 $0xD880  }
0xca: {  	[hbm4b:s6+s3] =	stream.indirect_vreg.scatter [tilespmem:s19], [sflag:$0x1], $0x80, v4, vm0, $0xb8;
	[tilespmem:$0x10080] =	vst v63  }
0xcb: {  	s1 =	simm.s32 $0xE080  }
0xcc: {  	[hbm4b:s2+s3] =	stream.indirect_vreg.scatter [tilespmem:s1], [sflag:$0x1], $0x80, v3, vm0, $0xb8;
	[tilespmem:$0x10080] =	vst v63  }
0xcd: {  	s19 =	simm.s32 $0xE880  }
0xce: {  	[hbm4b:s4+s3] =	stream.indirect_vreg.scatter [tilespmem:s19], [sflag:$0x1], $0x80, v3, vm0, $0xb8;
	[tilespmem:$0x10080] =	vst v63  }
0xcf: {  	p0 =	sne.s32 s7, $0x1;
	s1 =	simm.s32 $0xF080  }
0xd0: {  	[hbm4b:s5+s3] =	stream.indirect_vreg.scatter [tilespmem:s1], [sflag:$0x1], $0x80, v3, vm0, $0xb8;
	[tilespmem:$0x10080] =	vst v63  }
.Ltmp0:
0xd1: {  	s19 =	simm.s32 $0xF880;
	(pc) =	sbr.rel @p0 .LBB2_1-.Ltmp0, $4  }
0xd2: {  	[hbm4b:s6+s3] =	stream.indirect_vreg.scatter [tilespmem:s19], [sflag:$0x1], $0x80, v3, vm0, $0xb8;
	[tilespmem:$0x10080] =	vst v63  }
0xd3: {  	_ =	swait.ge [sflag:s18], $0x10000  }
0xd4: {  	[sflag:s18] =	ssyncset.done $0x0  }
0xd5: {  	s7 =	sadd.s32 $0xFFFFFFFF, s7;
	[sflag:s18] =	ssyncadd.s32 $0xFFFF0000  }
0xd6: {  	_ =	sfence.sel $0x180000  }
0xd7: {  	[bflag:$0x0] =	sbarrier.arrive $0xFFFF  }
0xd8: {  	_ =	strace $0x90000047  }
0xd9: {  	s0 =	stileid.u32;
	[bflag:$0x2] =	sbarrier.arrive $0xFFFF  }
0xda: {  	p0 =	sne.s32 s0, $0x0;
	s0 =	rddreg [dreg:$0x3]  }
0xdb: {  	s0 =	sadd.s32 @!p0 $0x100000, s0  }
0xdc: {  	[sflag:s0] =	ssyncadd.tile.s32 @!p0 $0x1;
	_ =	shalt  }
.Lfunc_end2:
_tile_overlayer_lowered:
.L_overlay_start_2:
0xdd: {  	(tag) =	ssettag $0x2  }
0xde: {  	s0 =	rddreg [dreg:$0x0];
	s2 =	stileid.u32  }
0xdf: {  	s1 =	rddreg [dreg:$0x1];
	p0 =	sne.s32 s2, $0x0  }
0xe0: {  	s3 =	rddreg [dreg:$0x2];
	[bflag:$0x3] =	sbarrier.arrive $0xFFFF;
	s2 =	simm.s32 @!p0 $0x1C02  }
0xe1: {  	[timem:s3], [sflag:s2] =	dma.local @!p0 [hbm:s0], s1  }
0xe2: {  	s0 =	simm.s32 @!p0 $0x2  }
0xe3: {  	_ =	swait.ge @!p0 [sflag:s0], s1  }
0xe4: {  	s1 =	ssub.s32 @!p0 $0x0, s1;
	[sflag:s0] =	ssyncset.done @!p0 $0x0  }
0xe5: {  	[sflag:s0] =	ssyncadd.s32 @!p0 s1  }
0xe6: {  	[bflag:$0x3] =	sbarrier.arrive $0xFFFF  }
0xe7: {  	_ =	shalt  }

// kernel: kernel.9.cloned.1.call-start
scs
__scs_entry_jumppad:
0x0: {  	(pc) =	sbr.rel $0x88, $3  }
0x1: {  	(tag) =	ssettag $0x0;
	lr =	simm.s32 $0x1  }
0x2: {  	[smem:$0x3F9A] =	sst lr;
	_ =	strace $0xD0000000  }
0x3: {  	_ = 	snop  }
0x4: {  	_ = 	snop  }
0x5: {  	_ = 	snop  }
0x6: {  	_ = 	snop  }
0x7: {  	_ = 	snop  }
__scs_overlays_trampoline_lowered:
0x8: {  	[smem:$0x3FA9] =	sst s0  }
0x9: {  	[smem:$0x3FAA] =	sst s1  }
0xa: {  	[smem:$0x3FAB] =	sst s2  }
0xb: {  	[smem:$0x3FAC] =	sst s3  }
0xc: {  	[smem:$0x3FAD] =	sst s4  }
0xd: {  	[smem:$0x3FAE] =	sst s5  }
0xe: {  	[smem:$0x3FAF] =	sst s6  }
0xf: {  	[smem:$0x3FB0] =	sst s7  }
0x10: {  	[smem:$0x3FB1] =	sst s8  }
0x11: {  	[smem:$0x3FB2] =	sst s9;
	s0 =	simm.s32 @!p0 $0x0  }
0x12: {  	s1 =	sld [smem:$0x3F98];
	s0 =	simm.s32 @p0 $0x1  }
0x13: {  	[smem:$0x3FB3] =	sst s0;
	s0 =	simm.s32 @!p1 $0x0  }
0x14: {  	s2 =	sld [smem:$0x3F97];
	s0 =	simm.s32 @p1 $0x1  }
0x15: {  	[smem:$0x3FB4] =	sst s0;
	s0 =	simm.s32 @!p2 $0x0  }
0x16: {  	s3 =	sld [smem:$0x3FDB];
	s0 =	simm.s32 @p2 $0x1  }
0x17: {  	s4 =	simm.s32 $0x1BF5;
	[smem:$0x3FB6] =	sst s0  }
0x18: {  	s0 =	sld [smem:$0x3F99];
	_ =	swait.ge [sflag:s4], $0x0  }
0x19: {  	s7 =	sld [smem:$0x3F9A]  }
0x1a: {  	s8 =	sadd.s32 $0xFFFFE003, lr  }
0x1b: {  	s9 =	sadd.s32 $0xFFFFFEF7, lr;
	s5 =	simm.s32 $0xFFFFFFFF;
	p2 =	slt.u32 s8, $0xFFFFF086  }
0x1c: {  	p1 =	slt.u32 s9, $0xF7A;
	s5 =	simm.s32 @!p2 $0x0  }
0x1d: {  	s5 =	simm.s32 @p1 $0x1;
	p0 =	seq.s32 s7, s2  }
0x1e: {  	s7 =	smul.u32 @!p0 $0xF7A, s2;
	p2 =	seq.s32 @!p0 s5, $0x0  }
0x1f: {  	s9 =	smul.u32 $0xF7A, s1;
	s8 =	simm.s32 @!p0 $0x1BF5;
	p2 =	por !p2, p0  }
0x20: {  	[sflag:s8] =	ssyncset.s32 @!p0 $0xFFFFF086;
	s6 =	sadd.s32 @!p0 s3, s7;
	s7 =	simm.s32 @!p0 $0x108  }
0x21: {  	s3 =	sadd.s32 s3, s9;
	s6 =	sadd.s32 @!p0 $0x88, s6;
	s7 =	simm.s32 @p2 $0x1082  }
0x22: {  	[simem:s7], [sflag:s8] =	dma.local @!p0 [hbm:s6], $0xF7A  }
0x23: {  	s9 =	sor.u32 $0xD0000000, s2;
	s6 =	simm.s32 $0x108;
	_ =	swait.ge @!p0 [sflag:s8], $0x0  }
0x24: {  	s3 =	sadd.s32 $0x88, s3;
	s6 =	simm.s32 @!p1 $0x1082;
	[sflag:s4] =	ssyncset.s32 $0xFFFFF086  }
0x25: {  	[simem:s6], [sflag:s4] =	dma.local [hbm:s3], $0xF7A  }
0x26: {  	[smem:$0x3F9A] =	sst s1;
	(tag) =	ssettag s2;
	_ =	strace s9  }
0x27: {  	s1 =	sld [smem:$0x3FAA]  }
0x28: {  	s2 =	sld [smem:$0x3FAB]  }
0x29: {  	s4 =	sld [smem:$0x3FAD]  }
0x2a: {  	p0 =	seq.s32 s5, $0x0;
	s5 =	sld [smem:$0x3FAE]  }
0x2b: {  	s6 =	sld [smem:$0x3FAF]  }
0x2c: {  	s7 =	sld [smem:$0x3FB0]  }
0x2d: {  	s3 =	simm.s32 $0x108;
	s8 =	sld [smem:$0x3FB1]  }
0x2e: {  	s3 =	simm.s32 @!p0 $0x1082;
	s9 =	sld [smem:$0x3FB2]  }
0x2f: {  	lr =	sadd.s32 s0, s3;
	s0 =	sld [smem:$0x3FA9]  }
0x30: {  	s3 =	sld [smem:$0x3FAC]  }
0x31: {  	[smem:$0x3FB5] =	sst s10  }
0x32: {  	s10 =	sld [smem:$0x3FB3];
	_ =	sdelay $0x3  }
0x33: {  	p0 =	seq.s32 s10, $0x1;
	s10 =	sld [smem:$0x3FB5];
	_ =	sdelay $0x3  }
0x34: {  	[smem:$0x3FB5] =	sst s10  }
0x35: {  	s10 =	sld [smem:$0x3FB4];
	_ =	sdelay $0x3  }
0x36: {  	p1 =	seq.s32 s10, $0x1;
	s10 =	sld [smem:$0x3FB5];
	_ =	sdelay $0x3  }
0x37: {  	[smem:$0x3FB5] =	sst s10  }
0x38: {  	s10 =	sld [smem:$0x3FB6]  }
0x39: {  	_ = 	snop;
	(pc) =	sbr.ind lr, $3  }
0x3a: {  	_ = 	snop  }
0x3b: {  	_ = 	snop  }
0x3c: {  	p2 =	seq.s32 s10, $0x1;
	s10 =	sld [smem:$0x3FB5]  }
0x3d: {  	_ =	shalt  }
0x3e: {  	_ =	shalt  }
0x3f: {  	_ =	shalt  }
0x40: {  	_ =	shalt  }
0x41: {  	_ =	shalt  }
0x42: {  	_ =	shalt  }
0x43: {  	_ =	shalt  }
0x44: {  	_ =	shalt  }
0x45: {  	_ =	shalt  }
0x46: {  	_ =	shalt  }
0x47: {  	_ =	shalt  }
0x48: {  	_ =	shalt  }
0x49: {  	_ =	shalt  }
0x4a: {  	_ =	shalt  }
0x4b: {  	_ =	shalt  }
0x4c: {  	_ =	shalt  }
0x4d: {  	_ =	shalt  }
0x4e: {  	_ =	shalt  }
0x4f: {  	_ =	shalt  }
0x50: {  	_ =	shalt  }
0x51: {  	_ =	shalt  }
0x52: {  	_ =	shalt  }
0x53: {  	_ =	shalt  }
0x54: {  	_ =	shalt  }
0x55: {  	_ =	shalt  }
0x56: {  	_ =	shalt  }
0x57: {  	_ =	shalt  }
0x58: {  	_ =	shalt  }
0x59: {  	_ =	shalt  }
0x5a: {  	_ =	shalt  }
0x5b: {  	_ =	shalt  }
0x5c: {  	_ =	shalt  }
0x5d: {  	_ =	shalt  }
0x5e: {  	_ =	shalt  }
0x5f: {  	_ =	shalt  }
0x60: {  	_ =	shalt  }
0x61: {  	_ =	shalt  }
0x62: {  	_ =	shalt  }
0x63: {  	_ =	shalt  }
0x64: {  	_ =	shalt  }
0x65: {  	_ =	shalt  }
0x66: {  	_ =	shalt  }
0x67: {  	_ =	shalt  }
0x68: {  	_ =	shalt  }
0x69: {  	_ =	shalt  }
0x6a: {  	_ =	shalt  }
0x6b: {  	_ =	shalt  }
0x6c: {  	_ =	shalt  }
0x6d: {  	_ =	shalt  }
0x6e: {  	_ =	shalt  }
0x6f: {  	_ =	shalt  }
0x70: {  	_ =	shalt  }
0x71: {  	_ =	shalt  }
0x72: {  	_ =	shalt  }
0x73: {  	_ =	shalt  }
0x74: {  	_ =	shalt  }
0x75: {  	_ =	shalt  }
0x76: {  	_ =	shalt  }
0x77: {  	_ =	shalt  }
0x78: {  	_ =	shalt  }
0x79: {  	_ =	shalt  }
0x7a: {  	_ =	shalt  }
0x7b: {  	_ =	shalt  }
0x7c: {  	_ =	shalt  }
0x7d: {  	_ =	shalt  }
0x7e: {  	_ =	shalt  }
0x7f: {  	_ =	shalt  }
0x80: {  	_ =	shalt  }
0x81: {  	_ =	shalt  }
0x82: {  	_ =	shalt  }
0x83: {  	_ =	shalt  }
0x84: {  	_ =	shalt  }
0x85: {  	_ =	shalt  }
0x86: {  	_ =	shalt  }
0x87: {  	_ =	shalt  }
.Lfunc_end0:
.L_simem_size_0:
called_computation.1_lowered:
.L_overlay_start_0:
0x88: {  	s2 =	sld [smem:$0x3FD9]  }
0x89: {  	s3 =	sld [smem:$0x3FFE];
	_ =	sdelay $0x1  }
0x8a: {  	s1 =	srdreg.scid  }
0x8b: {  	s0 =	sand.u32 $0x1, s1  }
0x8c: {  	s14 =	sshll.u32 s0, $0xA;
	s2 =	sadd.s32 s3, s2  }
0x8d: {  	s2 =	sadd.s32 s2, s14  }
0x8e: {  	[smem:$0x3FC1] =	sst s2  }
0x8f: {  	_ = 	snop  }
0x90: {  	s2 =	sld [smem:$0x3FD0];
	_ =	sdelay $0x2  }
0x91: {  	s15 =	simm.s32 $0xA;
	s4 =	simm.s32 $0x10  }
0x92: {  	[smem:s4], [sflag:s15] =	dma.local [hbm:s2], $0x1  }
0x93: {  	_ =	swait.eq [sflag:s15], $0x1  }
0x94: {  	[sflag:s15] =	ssyncset.done $0x0  }
0x95: {  	[sflag:s15] =	ssyncadd.s32 $0xFFFFFFFF  }
0x96: {  	s16 =	sld [smem:$0x10];
	(tm) =	ssettm $0x1  }
0x97: {  	s17 =	sld [smem:$0x3FFB];
	_ =	sdelay $0x3  }
0x98: {  	_ =	strace s17  }
0x99: {  	s3 =	sld [smem:$0x3FFC];
	_ =	sdelay $0x3  }
0x9a: {  	_ =	strace s3  }
0x9b: {  	s3 =	sld [smem:$0x3FFD];
	_ =	sdelay $0x3  }
0x9c: {  	_ =	strace s3  }
0x9d: {  	_ =	strace $0x8FFFFFFF  }
0x9e: {  	s18 =	sld [smem:$0x3FDB];
	_ =	sdelay $0x1  }
0x9f: {  	s19 =	simm.s32 $_scs_section_size  }
0xa0: {  	s5 =	simm.s32 $_size__tile_overlayer_lowered;
	s6 =	simm.s32 $_tile_overlayer_lowered  }
0xa1: {  	s22 =	simm.s32 $0x1BFF;
	s21 =	sshll.u32 s6, $0x1;
	s3 =	sadd.s32 s19, s18  }
0xa2: {  	s7 =	simm.s32 $0x0;
	s20 =	sshll.u32 s5, $0x1;
	s5 =	sadd.s32 s21, s3  }
0xa3: {  	[timem:s7], [sflag:s22] =	dma.local [hbm:s5], s20  }
0xa4: {  	_ =	swait.ge [sflag:s22], s20  }
0xa5: {  	s4 =	ssub.s32 $0x0, s20;
	[sflag:s22] =	ssyncset.done $0x0  }
0xa6: {  	[sflag:s22] =	ssyncadd.s32 s4;
	_ =	sdelay $0x1  }
0xa7: {  	s23 =	simm.s32 $0x1B8B  }
0xa8: {  	_ =	swait.ge [sflag:s23], $0x1  }
0xa9: {  	[sflag:s23] =	ssyncset.done $0x0  }
0xaa: {  	s25 =	simm.s32 $0x1B8E;
	s24 =	sld [smem:$0x3FFE];
	[sflag:s23] =	ssyncadd.s32 $0xFFFFFFFF  }
0xab: {  	s26 =	simm.s32 $execute0_lowered;
	[smem:$0x3FD2] =	sst s25  }
0xac: {  	s5 =	sshll.u32 s26, $0x1;
	_ =	strace $0x80000049;
	[dreg:$0x1] =	wrdreg $0xFFFFFFFF  }
0xad: {  	s28 =	simm.s32 $_size_execute0_lowered;
	s3 =	sadd.s32 s3, s5;
	[dreg:$0x0] =	wrdreg $0x0  }
0xae: {  	s5 =	sshll.u32 s28, $0x1;
	[dreg:$0x2] =	wrdreg s3  }
0xaf: {  	[dreg:$0x3] =	wrdreg s5  }
0xb0: {  	[dreg:$0x4] =	wrdreg $0xC0  }
0xb1: {  	_ =	task [dreg:s7], $0x5FFFF  }
0xb2: {  	[dreg:$0x1] =	wrdreg $0xFFFFFFFF  }
0xb3: {  	[dreg:$0x0] =	wrdreg $0x60  }
0xb4: {  	[dreg:$0x2] =	wrdreg s16  }
0xb5: {  	[dreg:$0x3] =	wrdreg s24  }
0xb6: {  	[dreg:$0x4] =	wrdreg $0x9  }
0xb7: {  	_ =	task.clear_ibuf [dreg:s7], $0x5FFFF;
	_ =	strace $0x90000049  }
0xb8: {  	s29 =	simm.s32 $0x9;
	_ =	strace $0x8000004B  }
0xb9: {  	_ =	swait.ge [sflag:s29], $0x1  }
0xba: {  	[sflag:s29] =	ssyncadd.s32 $0xFFFFFFFF  }
0xbb: {  	_ =	strace $0x9000004B  }
0xbc: {  	_ =	sfence  }
0xbd: {  	s30 =	sld [smem:$0x0];
	_ =	sdelay $0x2  }
0xbe: {  	s31 =	sshll.u32 s1, $0xD;
	s1 =	sshrl.u32 s1, $0x2  }
0xbf: {  	s3 =	sand.u32 $0x4000, s31;
	s1 =	sadd.s32 s1, s30  }
0xc0: {  	s0 =	sor.u32 s3, s0;
	s1 =	sshll.u32 s1, $0x11  }
0xc1: {  	s0 =	sor.u32 s1, s0  }
0xc2: {  	s0 =	sadd.s32 $0x8F2B, s0  }
0xc3: {  	[sflag:s0] =	ssyncadd.remote.s32 $0x1  }
0xc4: {  	_ =	sfence.sel $0xFFFF  }
0xc5: {  	[dreg:$0x0] =	wrdreg $0xFFFFFFFF;
	(pc) =	sbr.abs _section_cstart, $3  }
0xc6: {  	[dreg:$0x1] =	wrdreg $0xFFFFFFFF  }
0xc7: {  	_ =	task.clear_ibuf [dreg:s7], $0x2FFFF;
	_ =	strace $0x9FFFFFFF  }
0xc8: {  	(tm) =	ssettm $0x7FFFFFFF  }
0xc9: {  	_ =	shalt  }
tec
execute0_lowered:
.L_overlay_start_1:
0x0: {  	(tag) =	ssettag $0x1  }
0x1: {  	s2 =	rddreg [dreg:$0x0]  }
0x2: {  	s0 =	rddreg [dreg:$0x1]  }
0x3: {  	s1 =	srdreg.scid;
	s4 =	stileid.u32;
	s3 =	simm.s32 $0x0  }
0x4: {  	s18 =	simm.s32 $0x1;
	s20 =	simm.s32 $0x880;
	s21 =	simm.s32 $0x1080  }
0x5: {  	s22 =	simm.s32 $0x1880;
	s23 =	simm.s32 $0x2080;
	s24 =	simm.s32 $0x2880  }
0x6: {  	s28 =	simm.s32 $0x4080;
	s29 =	simm.s32 $0x4880;
	s30 =	simm.s32 $0x5080  }
0x7: {  	s31 =	simm.s32 $0x5880;
	s10 =	simm.s32 $0x7080;
	s11 =	simm.s32 $0x7880  }
0x8: {  	s12 =	simm.s32 $0x8080;
	s13 =	simm.s32 $0x8880;
	s14 =	simm.s32 $0x9080  }
0x9: {  	s15 =	simm.s32 $0x9880;
	s16 =	simm.s32 $0xA080;
	s17 =	simm.s32 $0xA880  }
0xa: {  	s1 =	sand.u32 $0x1, s1;
	s4 =	sshll.u32 s4, $0x8;
	[smem:$0x7FF] =	sst s3  }
0xb: {  	s6 =	sadd.s32 $0x10200, s0;
	s5 =	sshll.u32 s1, $0x7;
	s1 =	ssub.s32 $0x2, s1  }
0xc: {  	s0 =	sadd.s32 $0x10400, s0;
	s5 =	sor.u32 s5, s4;
	s7 =	sshrl.u32 s1, $0x1  }
0xd: {  	_ =	strace $0x8000004A;
	s4 =	sshrl.u32 s5, $0x3;
	s1 =	ssub.s32 s1, s7  }
0xe: {  	s25 =	sshll.u32 s5, $0x7;
	s8 =	sor.u32 $0x40, s5;
	s5 =	sadd.s32 $0x200, s2  }
0xf: {  	s4 =	sadd.s32 s6, s4;
	s7 =	sadd.s32 s0, s25;
	s9 =	sshrl.u32 s8, $0x3  }
0x10: {  	s8 =	sshll.u32 s8, $0x7;
	s25 =	simm.s32 $0x3080;
	[dreg:$0x3] =	wrdreg s4  }
0x11: {  	s4 =	sadd.s32 $0x100, s2;
	[dreg:$0x4] =	wrdreg s7;
	s26 =	sadd.s32 s6, s9  }
0x12: {  	v2 =	vlaneseq.u32;
	s6 =	sadd.s32 $0x300, s2;
	s0 =	sadd.s32 s0, s8;
	s7 =	smax.u32 s1, $0x1  }
0x13: {  	vm0 =	vmmov $0xffff;
	v1 =	vshrl.u32 v2, $0x3;
	s8 =	simm.s32 $0x2;
	s9 =	simm.s32 $0xB080;
	[dreg:$0x5] =	wrdreg s26  }
0x14: {  	v0 =	vand.u32 $0x7, v2;
	v2 =	vor.u32 $0x8, v2;
	v1 =	vmul.u32 $0x8, v1;
	[dreg:$0x6] =	wrdreg s0;
	s0 =	simm.s32 $0x80;
	s26 =	simm.s32 $0x3880  }
.LBB2_1:
0x15: {  	s19 =	rddreg [dreg:$0x3]  }
0x16: {  	[tilespmem:s3], [sflag:$0x2] =	stream.linear.gather [hbm4b:s19+s3], $0x40, $0x38;
	[tilespmem:$0x10080] =	vst v63  }
0x17: {  	_ =	swait.ge [sflag:s8], $0x40  }
0x18: {  	[sflag:s8] =	ssyncset.done $0x0  }
0x19: {  	[sflag:s8] =	ssyncadd.s32 $0xFFFFFFC0  }
0x1a: {  	v3 =	vld [tilespmem:$0x0];
	_ =	sdelay $0x4  }
0x1b: {  	v4 =	vshll.u32 v3, $0x3  }
0x1c: {  	v3 =	vand.u32 $0x7, v3;
	v4 =	vand.u32 $0xFFFFFFC0, v4  }
0x1d: {  	v3 =	vor.u32 v3, v4  }
0x1e: {  	v4 =	vperm.xlane v3, v0;
	_ =	sdelay $0x1  }
0x1f: {  	v4 =	vadd.s32 v1, v4;
	_ =	sdelay $0x4  }
0x20: {  	[tilespmem:s0], [sflag:$0x1] =	stream.indirect_vreg.gather [hbm4b:s2+s3], $0x80, v4, vm0, $0xb8;
	[tilespmem:$0x10080] =	vst v63  }
0x21: {  	v3 =	vperm.xlane v3, v2  }
0x22: {  	[tilespmem:s20], [sflag:$0x1] =	stream.indirect_vreg.gather [hbm4b:s4+s3], $0x80, v4, vm0, $0xb8;
	[tilespmem:$0x10080] =	vst v63  }
0x23: {  	v3 =	vadd.s32 v1, v3  }
0x24: {  	[tilespmem:s21], [sflag:$0x1] =	stream.indirect_vreg.gather [hbm4b:s5+s3], $0x80, v4, vm0, $0xb8;
	[tilespmem:$0x10080] =	vst v63  }
0x25: {  	_ = 	snop  }
0x26: {  	[tilespmem:s22], [sflag:$0x1] =	stream.indirect_vreg.gather [hbm4b:s6+s3], $0x80, v4, vm0, $0xb8;
	[tilespmem:$0x10080] =	vst v63  }
0x27: {  	_ = 	snop  }
0x28: {  	[tilespmem:s23], [sflag:$0x1] =	stream.indirect_vreg.gather [hbm4b:s2+s3], $0x80, v3, vm0, $0xb8;
	[tilespmem:$0x10080] =	vst v63  }
0x29: {  	_ = 	snop  }
0x2a: {  	[tilespmem:s24], [sflag:$0x1] =	stream.indirect_vreg.gather [hbm4b:s4+s3], $0x80, v3, vm0, $0xb8;
	[tilespmem:$0x10080] =	vst v63  }
0x2b: {  	_ = 	snop  }
0x2c: {  	[tilespmem:s25], [sflag:$0x1] =	stream.indirect_vreg.gather [hbm4b:s5+s3], $0x80, v3, vm0, $0xb8;
	[tilespmem:$0x10080] =	vst v63  }
0x2d: {  	_ = 	snop  }
0x2e: {  	[tilespmem:s26], [sflag:$0x1] =	stream.indirect_vreg.gather [hbm4b:s6+s3], $0x80, v3, vm0, $0xb8;
	[tilespmem:$0x10080] =	vst v63  }
0x2f: {  	v3 =	vld [tilespmem:$0x10];
	_ =	sdelay $0x4  }
0x30: {  	v57 =	vshll.u32 v3, $0x3  }
0x31: {  	v3 =	vand.u32 $0x7, v3;
	v4 =	vand.u32 $0xFFFFFFC0, v57  }
0x32: {  	v3 =	vor.u32 v3, v4  }
0x33: {  	v4 =	vperm.xlane v3, v0;
	_ =	sdelay $0x1  }
0x34: {  	v4 =	vadd.s32 v1, v4;
	_ =	sdelay $0x4  }
0x35: {  	[tilespmem:s28], [sflag:$0x1] =	stream.indirect_vreg.gather [hbm4b:s2+s3], $0x80, v4, vm0, $0xb8;
	[tilespmem:$0x10080] =	vst v63  }
0x36: {  	v3 =	vperm.xlane v3, v2  }
0x37: {  	[tilespmem:s29], [sflag:$0x1] =	stream.indirect_vreg.gather [hbm4b:s4+s3], $0x80, v4, vm0, $0xb8;
	[tilespmem:$0x10080] =	vst v63  }
0x38: {  	v3 =	vadd.s32 v1, v3  }
0x39: {  	[tilespmem:s30], [sflag:$0x1] =	stream.indirect_vreg.gather [hbm4b:s5+s3], $0x80, v4, vm0, $0xb8;
	[tilespmem:$0x10080] =	vst v63  }
0x3a: {  	_ = 	snop  }
0x3b: {  	[tilespmem:s31], [sflag:$0x1] =	stream.indirect_vreg.gather [hbm4b:s6+s3], $0x80, v4, vm0, $0xb8;
	[tilespmem:$0x10080] =	vst v63  }
0x3c: {  	s1 =	simm.s32 $0x6080  }
0x3d: {  	[tilespmem:s1], [sflag:$0x1] =	stream.indirect_vreg.gather [hbm4b:s2+s3], $0x80, v3, vm0, $0xb8;
	[tilespmem:$0x10080] =	vst v63  }
0x3e: {  	s1 =	simm.s32 $0x6880  }
0x3f: {  	[tilespmem:s1], [sflag:$0x1] =	stream.indirect_vreg.gather [hbm4b:s4+s3], $0x80, v3, vm0, $0xb8;
	[tilespmem:$0x10080] =	vst v63  }
0x40: {  	_ = 	snop  }
0x41: {  	[tilespmem:s10], [sflag:$0x1] =	stream.indirect_vreg.gather [hbm4b:s5+s3], $0x80, v3, vm0, $0xb8;
	[tilespmem:$0x10080] =	vst v63  }
0x42: {  	_ = 	snop  }
0x43: {  	[tilespmem:s11], [sflag:$0x1] =	stream.indirect_vreg.gather [hbm4b:s6+s3], $0x80, v3, vm0, $0xb8;
	[tilespmem:$0x10080] =	vst v63  }
0x44: {  	v3 =	vld [tilespmem:$0x20];
	_ =	sdelay $0x4  }
0x45: {  	v58 =	vshll.u32 v3, $0x3  }
0x46: {  	v3 =	vand.u32 $0x7, v3;
	v4 =	vand.u32 $0xFFFFFFC0, v58  }
0x47: {  	v3 =	vor.u32 v3, v4  }
0x48: {  	v4 =	vperm.xlane v3, v0;
	_ =	sdelay $0x1  }
0x49: {  	v4 =	vadd.s32 v1, v4;
	_ =	sdelay $0x4  }
0x4a: {  	[tilespmem:s12], [sflag:$0x1] =	stream.indirect_vreg.gather [hbm4b:s2+s3], $0x80, v4, vm0, $0xb8;
	[tilespmem:$0x10080] =	vst v63  }
0x4b: {  	v3 =	vperm.xlane v3, v2  }
0x4c: {  	[tilespmem:s13], [sflag:$0x1] =	stream.indirect_vreg.gather [hbm4b:s4+s3], $0x80, v4, vm0, $0xb8;
	[tilespmem:$0x10080] =	vst v63  }
0x4d: {  	v3 =	vadd.s32 v1, v3  }
0x4e: {  	[tilespmem:s14], [sflag:$0x1] =	stream.indirect_vreg.gather [hbm4b:s5+s3], $0x80, v4, vm0, $0xb8;
	[tilespmem:$0x10080] =	vst v63  }
0x4f: {  	_ = 	snop  }
0x50: {  	[tilespmem:s15], [sflag:$0x1] =	stream.indirect_vreg.gather [hbm4b:s6+s3], $0x80, v4, vm0, $0xb8;
	[tilespmem:$0x10080] =	vst v63  }
0x51: {  	_ = 	snop  }
0x52: {  	[tilespmem:s16], [sflag:$0x1] =	stream.indirect_vreg.gather [hbm4b:s2+s3], $0x80, v3, vm0, $0xb8;
	[tilespmem:$0x10080] =	vst v63  }
0x53: {  	_ = 	snop  }
0x54: {  	[tilespmem:s17], [sflag:$0x1] =	stream.indirect_vreg.gather [hbm4b:s4+s3], $0x80, v3, vm0, $0xb8;
	[tilespmem:$0x10080] =	vst v63  }
0x55: {  	_ = 	snop  }
0x56: {  	[tilespmem:s9], [sflag:$0x1] =	stream.indirect_vreg.gather [hbm4b:s5+s3], $0x80, v3, vm0, $0xb8;
	[tilespmem:$0x10080] =	vst v63  }
0x57: {  	s19 =	simm.s32 $0xB880  }
0x58: {  	[tilespmem:s19], [sflag:$0x1] =	stream.indirect_vreg.gather [hbm4b:s6+s3], $0x80, v3, vm0, $0xb8;
	[tilespmem:$0x10080] =	vst v63  }
0x59: {  	v3 =	vld [tilespmem:$0x30];
	_ =	sdelay $0x4  }
0x5a: {  	v59 =	vshll.u32 v3, $0x3  }
0x5b: {  	v3 =	vand.u32 $0x7, v3;
	v4 =	vand.u32 $0xFFFFFFC0, v59  }
0x5c: {  	v3 =	vor.u32 v3, v4  }
0x5d: {  	v4 =	vperm.xlane v3, v0;
	_ =	sdelay $0x1  }
0x5e: {  	v4 =	vadd.s32 v1, v4;
	_ =	sdelay $0x3  }
0x5f: {  	s19 =	simm.s32 $0xC080  }
0x60: {  	[tilespmem:s19], [sflag:$0x1] =	stream.indirect_vreg.gather [hbm4b:s2+s3], $0x80, v4, vm0, $0xb8;
	[tilespmem:$0x10080] =	vst v63  }
0x61: {  	v3 =	vperm.xlane v3, v2;
	s19 =	simm.s32 $0xC880  }
0x62: {  	[tilespmem:s19], [sflag:$0x1] =	stream.indirect_vreg.gather [hbm4b:s4+s3], $0x80, v4, vm0, $0xb8;
	[tilespmem:$0x10080] =	vst v63  }
0x63: {  	v3 =	vadd.s32 v1, v3;
	s19 =	simm.s32 $0xD080  }
0x64: {  	[tilespmem:s19], [sflag:$0x1] =	stream.indirect_vreg.gather [hbm4b:s5+s3], $0x80, v4, vm0, $0xb8;
	[tilespmem:$0x10080] =	vst v63  }
0x65: {  	s19 =	simm.s32 $0xD880  }
0x66: {  	[tilespmem:s19], [sflag:$0x1] =	stream.indirect_vreg.gather [hbm4b:s6+s3], $0x80, v4, vm0, $0xb8;
	[tilespmem:$0x10080] =	vst v63  }
0x67: {  	s19 =	simm.s32 $0xE080  }
0x68: {  	[tilespmem:s19], [sflag:$0x1] =	stream.indirect_vreg.gather [hbm4b:s2+s3], $0x80, v3, vm0, $0xb8;
	[tilespmem:$0x10080] =	vst v63  }
0x69: {  	s19 =	simm.s32 $0xE880  }
0x6a: {  	[tilespmem:s19], [sflag:$0x1] =	stream.indirect_vreg.gather [hbm4b:s4+s3], $0x80, v3, vm0, $0xb8;
	[tilespmem:$0x10080] =	vst v63  }
0x6b: {  	s19 =	simm.s32 $0xF080  }
0x6c: {  	[tilespmem:s19], [sflag:$0x1] =	stream.indirect_vreg.gather [hbm4b:s5+s3], $0x80, v3, vm0, $0xb8;
	[tilespmem:$0x10080] =	vst v63  }
0x6d: {  	s19 =	simm.s32 $0xF880  }
0x6e: {  	[tilespmem:s19], [sflag:$0x1] =	stream.indirect_vreg.gather [hbm4b:s6+s3], $0x80, v3, vm0, $0xb8;
	[tilespmem:$0x10080] =	vst v63  }
0x6f: {  	_ =	swait.ge [sflag:s18], $0x10000  }
0x70: {  	[sflag:s18] =	ssyncset.done $0x0  }
0x71: {  	s19 =	rddreg [dreg:$0x4];
	[sflag:s18] =	ssyncadd.s32 $0xFFFF0000  }
0x72: {  	[hbm4b:s19+s3] =	stream.linear.scatter [tilespmem:s0], [sflag:$0x2], $0x10000, $0x38;
	[tilespmem:$0x10080] =	vst v63  }
0x73: {  	_ =	swait.ge [sflag:s8], $0x10000  }
0x74: {  	[sflag:s8] =	ssyncset.done $0x0  }
0x75: {  	s19 =	rddreg [dreg:$0x5];
	[sflag:s8] =	ssyncadd.s32 $0xFFFF0000  }
0x76: {  	[tilespmem:s3], [sflag:$0x2] =	stream.linear.gather [hbm4b:s19+s3], $0x40, $0x38;
	[tilespmem:$0x10080] =	vst v63  }
0x77: {  	_ =	swait.ge [sflag:s8], $0x40  }
0x78: {  	[sflag:s8] =	ssyncset.done $0x0  }
0x79: {  	[sflag:s8] =	ssyncadd.s32 $0xFFFFFFC0  }
0x7a: {  	v3 =	vld [tilespmem:$0x0];
	_ =	sdelay $0x4  }
0x7b: {  	v60 =	vshll.u32 v3, $0x3  }
0x7c: {  	v3 =	vand.u32 $0x7, v3;
	v4 =	vand.u32 $0xFFFFFFC0, v60  }
0x7d: {  	v3 =	vor.u32 v3, v4  }
0x7e: {  	v4 =	vperm.xlane v3, v0;
	_ =	sdelay $0x1  }
0x7f: {  	v4 =	vadd.s32 v1, v4;
	_ =	sdelay $0x4  }
0x80: {  	[tilespmem:s0], [sflag:$0x1] =	stream.indirect_vreg.gather [hbm4b:s2+s3], $0x80, v4, vm0, $0xb8;
	[tilespmem:$0x10080] =	vst v63  }
0x81: {  	v3 =	vperm.xlane v3, v2  }
0x82: {  	[tilespmem:s20], [sflag:$0x1] =	stream.indirect_vreg.gather [hbm4b:s4+s3], $0x80, v4, vm0, $0xb8;
	[tilespmem:$0x10080] =	vst v63  }
0x83: {  	v3 =	vadd.s32 v1, v3  }
0x84: {  	[tilespmem:s21], [sflag:$0x1] =	stream.indirect_vreg.gather [hbm4b:s5+s3], $0x80, v4, vm0, $0xb8;
	[tilespmem:$0x10080] =	vst v63  }
0x85: {  	_ = 	snop  }
0x86: {  	[tilespmem:s22], [sflag:$0x1] =	stream.indirect_vreg.gather [hbm4b:s6+s3], $0x80, v4, vm0, $0xb8;
	[tilespmem:$0x10080] =	vst v63  }
0x87: {  	_ = 	snop  }
0x88: {  	[tilespmem:s23], [sflag:$0x1] =	stream.indirect_vreg.gather [hbm4b:s2+s3], $0x80, v3, vm0, $0xb8;
	[tilespmem:$0x10080] =	vst v63  }
0x89: {  	_ = 	snop  }
0x8a: {  	[tilespmem:s24], [sflag:$0x1] =	stream.indirect_vreg.gather [hbm4b:s4+s3], $0x80, v3, vm0, $0xb8;
	[tilespmem:$0x10080] =	vst v63  }
0x8b: {  	_ = 	snop  }
0x8c: {  	[tilespmem:s25], [sflag:$0x1] =	stream.indirect_vreg.gather [hbm4b:s5+s3], $0x80, v3, vm0, $0xb8;
	[tilespmem:$0x10080] =	vst v63  }
0x8d: {  	_ = 	snop  }
0x8e: {  	[tilespmem:s26], [sflag:$0x1] =	stream.indirect_vreg.gather [hbm4b:s6+s3], $0x80, v3, vm0, $0xb8;
	[tilespmem:$0x10080] =	vst v63  }
0x8f: {  	v3 =	vld [tilespmem:$0x10];
	_ =	sdelay $0x4  }
0x90: {  	v61 =	vshll.u32 v3, $0x3  }
0x91: {  	v3 =	vand.u32 $0x7, v3;
	v4 =	vand.u32 $0xFFFFFFC0, v61  }
0x92: {  	v3 =	vor.u32 v3, v4  }
0x93: {  	v4 =	vperm.xlane v3, v0;
	_ =	sdelay $0x1  }
0x94: {  	v4 =	vadd.s32 v1, v4;
	_ =	sdelay $0x4  }
0x95: {  	[tilespmem:s28], [sflag:$0x1] =	stream.indirect_vreg.gather [hbm4b:s2+s3], $0x80, v4, vm0, $0xb8;
	[tilespmem:$0x10080] =	vst v63  }
0x96: {  	v3 =	vperm.xlane v3, v2  }
0x97: {  	[tilespmem:s29], [sflag:$0x1] =	stream.indirect_vreg.gather [hbm4b:s4+s3], $0x80, v4, vm0, $0xb8;
	[tilespmem:$0x10080] =	vst v63  }
0x98: {  	v3 =	vadd.s32 v1, v3  }
0x99: {  	[tilespmem:s30], [sflag:$0x1] =	stream.indirect_vreg.gather [hbm4b:s5+s3], $0x80, v4, vm0, $0xb8;
	[tilespmem:$0x10080] =	vst v63  }
0x9a: {  	_ = 	snop  }
0x9b: {  	[tilespmem:s31], [sflag:$0x1] =	stream.indirect_vreg.gather [hbm4b:s6+s3], $0x80, v4, vm0, $0xb8;
	[tilespmem:$0x10080] =	vst v63  }
0x9c: {  	s19 =	simm.s32 $0x6080  }
0x9d: {  	[tilespmem:s19], [sflag:$0x1] =	stream.indirect_vreg.gather [hbm4b:s2+s3], $0x80, v3, vm0, $0xb8;
	[tilespmem:$0x10080] =	vst v63  }
0x9e: {  	_ = 	snop  }
0x9f: {  	[tilespmem:s1], [sflag:$0x1] =	stream.indirect_vreg.gather [hbm4b:s4+s3], $0x80, v3, vm0, $0xb8;
	[tilespmem:$0x10080] =	vst v63  }
0xa0: {  	_ = 	snop  }
0xa1: {  	[tilespmem:s10], [sflag:$0x1] =	stream.indirect_vreg.gather [hbm4b:s5+s3], $0x80, v3, vm0, $0xb8;
	[tilespmem:$0x10080] =	vst v63  }
0xa2: {  	_ = 	snop  }
0xa3: {  	[tilespmem:s11], [sflag:$0x1] =	stream.indirect_vreg.gather [hbm4b:s6+s3], $0x80, v3, vm0, $0xb8;
	[tilespmem:$0x10080] =	vst v63  }
0xa4: {  	v3 =	vld [tilespmem:$0x20];
	_ =	sdelay $0x4  }
0xa5: {  	v62 =	vshll.u32 v3, $0x3  }
0xa6: {  	v3 =	vand.u32 $0x7, v3;
	v4 =	vand.u32 $0xFFFFFFC0, v62  }
0xa7: {  	v3 =	vor.u32 v3, v4  }
0xa8: {  	v4 =	vperm.xlane v3, v0;
	_ =	sdelay $0x1  }
0xa9: {  	v4 =	vadd.s32 v1, v4;
	_ =	sdelay $0x4  }
0xaa: {  	[tilespmem:s12], [sflag:$0x1] =	stream.indirect_vreg.gather [hbm4b:s2+s3], $0x80, v4, vm0, $0xb8;
	[tilespmem:$0x10080] =	vst v63  }
0xab: {  	v3 =	vperm.xlane v3, v2  }
0xac: {  	[tilespmem:s13], [sflag:$0x1] =	stream.indirect_vreg.gather [hbm4b:s4+s3], $0x80, v4, vm0, $0xb8;
	[tilespmem:$0x10080] =	vst v63  }
0xad: {  	v3 =	vadd.s32 v1, v3  }
0xae: {  	[tilespmem:s14], [sflag:$0x1] =	stream.indirect_vreg.gather [hbm4b:s5+s3], $0x80, v4, vm0, $0xb8;
	[tilespmem:$0x10080] =	vst v63  }
0xaf: {  	_ = 	snop  }
0xb0: {  	[tilespmem:s15], [sflag:$0x1] =	stream.indirect_vreg.gather [hbm4b:s6+s3], $0x80, v4, vm0, $0xb8;
	[tilespmem:$0x10080] =	vst v63  }
0xb1: {  	_ = 	snop  }
0xb2: {  	[tilespmem:s16], [sflag:$0x1] =	stream.indirect_vreg.gather [hbm4b:s2+s3], $0x80, v3, vm0, $0xb8;
	[tilespmem:$0x10080] =	vst v63  }
0xb3: {  	_ = 	snop  }
0xb4: {  	[tilespmem:s17], [sflag:$0x1] =	stream.indirect_vreg.gather [hbm4b:s4+s3], $0x80, v3, vm0, $0xb8;
	[tilespmem:$0x10080] =	vst v63  }
0xb5: {  	_ = 	snop  }
0xb6: {  	[tilespmem:s9], [sflag:$0x1] =	stream.indirect_vreg.gather [hbm4b:s5+s3], $0x80, v3, vm0, $0xb8;
	[tilespmem:$0x10080] =	vst v63  }
0xb7: {  	s19 =	simm.s32 $0xB880  }
0xb8: {  	[tilespmem:s19], [sflag:$0x1] =	stream.indirect_vreg.gather [hbm4b:s6+s3], $0x80, v3, vm0, $0xb8;
	[tilespmem:$0x10080] =	vst v63  }
0xb9: {  	v3 =	vld [tilespmem:$0x30];
	_ =	sdelay $0x4  }
0xba: {  	v63 =	vshll.u32 v3, $0x3  }
0xbb: {  	v3 =	vand.u32 $0x7, v3;
	v4 =	vand.u32 $0xFFFFFFC0, v63  }
0xbc: {  	v3 =	vor.u32 v3, v4  }
0xbd: {  	v4 =	vperm.xlane v3, v0;
	_ =	sdelay $0x1  }
0xbe: {  	v4 =	vadd.s32 v1, v4;
	_ =	sdelay $0x3  }
0xbf: {  	s19 =	simm.s32 $0xC080  }
0xc0: {  	[tilespmem:s19], [sflag:$0x1] =	stream.indirect_vreg.gather [hbm4b:s2+s3], $0x80, v4, vm0, $0xb8;
	[tilespmem:$0x10080] =	vst v63  }
0xc1: {  	v3 =	vperm.xlane v3, v2;
	s19 =	simm.s32 $0xC880  }
0xc2: {  	[tilespmem:s19], [sflag:$0x1] =	stream.indirect_vreg.gather [hbm4b:s4+s3], $0x80, v4, vm0, $0xb8;
	[tilespmem:$0x10080] =	vst v63  }
0xc3: {  	v3 =	vadd.s32 v1, v3;
	s19 =	simm.s32 $0xD080  }
0xc4: {  	[tilespmem:s19], [sflag:$0x1] =	stream.indirect_vreg.gather [hbm4b:s5+s3], $0x80, v4, vm0, $0xb8;
	[tilespmem:$0x10080] =	vst v63  }
0xc5: {  	s19 =	simm.s32 $0xD880  }
0xc6: {  	[tilespmem:s19], [sflag:$0x1] =	stream.indirect_vreg.gather [hbm4b:s6+s3], $0x80, v4, vm0, $0xb8;
	[tilespmem:$0x10080] =	vst v63  }
0xc7: {  	s19 =	simm.s32 $0xE080  }
0xc8: {  	[tilespmem:s19], [sflag:$0x1] =	stream.indirect_vreg.gather [hbm4b:s2+s3], $0x80, v3, vm0, $0xb8;
	[tilespmem:$0x10080] =	vst v63  }
0xc9: {  	s19 =	simm.s32 $0xE880  }
0xca: {  	[tilespmem:s19], [sflag:$0x1] =	stream.indirect_vreg.gather [hbm4b:s4+s3], $0x80, v3, vm0, $0xb8;
	[tilespmem:$0x10080] =	vst v63  }
0xcb: {  	s19 =	simm.s32 $0xF080  }
0xcc: {  	[tilespmem:s19], [sflag:$0x1] =	stream.indirect_vreg.gather [hbm4b:s5+s3], $0x80, v3, vm0, $0xb8;
	[tilespmem:$0x10080] =	vst v63  }
0xcd: {  	s19 =	simm.s32 $0xF880  }
0xce: {  	[tilespmem:s19], [sflag:$0x1] =	stream.indirect_vreg.gather [hbm4b:s6+s3], $0x80, v3, vm0, $0xb8;
	[tilespmem:$0x10080] =	vst v63  }
0xcf: {  	_ =	swait.ge [sflag:s18], $0x10000  }
0xd0: {  	p0 =	sne.s32 s7, $0x1;
	[sflag:s18] =	ssyncset.done $0x0  }
.Ltmp0:
0xd1: {  	s1 =	rddreg [dreg:$0x6];
	[sflag:s18] =	ssyncadd.s32 $0xFFFF0000;
	(pc) =	sbr.rel @p0 .LBB2_1-.Ltmp0, $4  }
0xd2: {  	[hbm4b:s1+s3] =	stream.linear.scatter [tilespmem:s0], [sflag:$0x2], $0x10000, $0x38;
	[tilespmem:$0x10080] =	vst v63  }
0xd3: {  	_ =	swait.ge [sflag:s8], $0x10000  }
0xd4: {  	[sflag:s8] =	ssyncset.done $0x0  }
0xd5: {  	s7 =	sadd.s32 $0xFFFFFFFF, s7;
	[sflag:s8] =	ssyncadd.s32 $0xFFFF0000  }
0xd6: {  	_ =	sfence.sel $0x180000  }
0xd7: {  	[bflag:$0x0] =	sbarrier.arrive $0xFFFF  }
0xd8: {  	_ =	strace $0x9000004A  }
0xd9: {  	s0 =	stileid.u32;
	[bflag:$0x2] =	sbarrier.arrive $0xFFFF  }
0xda: {  	p0 =	sne.s32 s0, $0x0;
	s0 =	rddreg [dreg:$0x2]  }
0xdb: {  	s0 =	sadd.s32 @!p0 $0x100000, s0  }
0xdc: {  	[sflag:s0] =	ssyncadd.tile.s32 @!p0 $0x1;
	_ =	shalt  }
.Lfunc_end2:
_tile_overlayer_lowered:
.L_overlay_start_2:
0xdd: {  	(tag) =	ssettag $0x2  }
0xde: {  	s0 =	rddreg [dreg:$0x0];
	s2 =	stileid.u32  }
0xdf: {  	s1 =	rddreg [dreg:$0x1];
	p0 =	sne.s32 s2, $0x0  }
0xe0: {  	s3 =	rddreg [dreg:$0x2];
	[bflag:$0x3] =	sbarrier.arrive $0xFFFF;
	s2 =	simm.s32 @!p0 $0x1C02  }
0xe1: {  	[timem:s3], [sflag:s2] =	dma.local @!p0 [hbm:s0], s1  }
0xe2: {  	s0 =	simm.s32 @!p0 $0x2  }
0xe3: {  	_ =	swait.ge @!p0 [sflag:s0], s1  }
0xe4: {  	s1 =	ssub.s32 @!p0 $0x0, s1;
	[sflag:s0] =	ssyncset.done @!p0 $0x0  }
0xe5: {  	[sflag:s0] =	ssyncadd.s32 @!p0 s1  }
0xe6: {  	[bflag:$0x3] =	sbarrier.arrive $0xFFFF  }
0xe7: {  	_ =	shalt  }

</sc_bundles>
